<compile_context>
chip_gen: v7x
topology: tpu7x:2x2x1
jax: 0.10.2.dev20260603
libtpu: 0.0.44.dev20260713+nightly
codegen_flags: <defaults>
</compile_context>

<pallas_src>
import functools

import jax
import jax.numpy as jnp
from jax import lax
from jax.experimental import pallas as pl
from jax.experimental.pallas import tpu as pltpu
from jax.experimental.pallas import tpu_sc as plsc

NC = 2
NS = 16
NW = NC * NS
K = 128


def _sc_mesh():
    return plsc.VectorSubcoreMesh(core_axis_name="c", subcore_axis_name="s")


_SC_PARAMS = pltpu.CompilerParams(use_tc_tiling_on_sc=False)


def _deg_kernel(npad, ch):
    sl = npad // NS

    @functools.partial(
        pl.kernel,
        mesh=_sc_mesh(),
        out_type=jax.ShapeDtypeStruct((NC * npad,), jnp.float32),
        compiler_params=_SC_PARAMS,
        scratch_types=[
            pltpu.VMEM_SHARED((npad,), jnp.float32),
            pltpu.VMEM((ch, K), jnp.int32),
            pltpu.VMEM((K,), jnp.float32),
            pltpu.VMEM((sl,), jnp.float32),
            pltpu.SemaphoreType.DMA,
        ],
    )
    def deg_kernel(dst_hbm, zeros_hbm, out_hbm, acc_sh, idx_v, ones_v, zst_v, sem):
        c = lax.axis_index("c")
        s = lax.axis_index("s")
        wid = s * NC + c
        pltpu.sync_copy(zeros_hbm.at[pl.ds(s * sl, sl)], zst_v)
        pltpu.sync_copy(zst_v, acc_sh.at[pl.ds(s * sl, sl)])

        @pl.loop(0, K, step=16)
        def _(i):
            ones_v[pl.ds(i, 16)] = jnp.full((16,), 1.0, jnp.float32)

        pltpu.sync_copy(dst_hbm.at[wid], idx_v)
        plsc.subcore_barrier()

        @pl.loop(0, ch)
        def _(j):
            pltpu.sync_copy(ones_v, acc_sh.at[idx_v.at[j]], add=True)

        plsc.subcore_barrier()
        pltpu.sync_copy(acc_sh.at[pl.ds(s * sl, sl)], zst_v)
        pltpu.sync_copy(zst_v, out_hbm.at[pl.ds(c * npad + s * sl, sl)])

    return deg_kernel


def _segsum_kernel(npad, ch, h):
    sl = npad // NS

    @functools.partial(
        pl.kernel,
        mesh=_sc_mesh(),
        out_type=jax.ShapeDtypeStruct((NC, npad, h), jnp.float32),
        compiler_params=_SC_PARAMS,
        scratch_types=[
            pltpu.VMEM_SHARED((npad, h), jnp.float32),
            pltpu.VMEM((ch, K), jnp.int32),
            pltpu.VMEM((ch, K), jnp.int32),
            pltpu.VMEM((K, h), jnp.float32),
            pltpu.VMEM((sl, h), jnp.float32),
            pltpu.SemaphoreType.DMA,
        ],
    )
    def seg_kernel(y_hbm, src_hbm, dst_hbm, zeros_hbm, out_hbm,
                   acc_sh, src_v, dst_v, rows_v, zst_v, gsem):
        c = lax.axis_index("c")
        s = lax.axis_index("s")
        wid = s * NC + c
        pltpu.sync_copy(zeros_hbm.at[pl.ds(s * sl, sl)], zst_v)
        pltpu.sync_copy(zst_v, acc_sh.at[pl.ds(s * sl, sl)])
        pltpu.sync_copy(src_hbm.at[wid], src_v)
        pltpu.sync_copy(dst_hbm.at[wid], dst_v)
        plsc.subcore_barrier()

        @pl.loop(0, ch)
        def _(j):
            pltpu.async_copy(y_hbm.at[src_v.at[j]], rows_v, gsem).wait()
            pltpu.sync_copy(rows_v, acc_sh.at[dst_v.at[j]], add=True)

        plsc.subcore_barrier()
        pltpu.sync_copy(acc_sh.at[pl.ds(s * sl, sl)], zst_v)
        pltpu.sync_copy(zst_v, out_hbm.at[c, pl.ds(s * sl, sl)])

    return seg_kernel


def _tc1_body(x_ref, wg_ref, wps_ref, bps_ref, xw_ref, zsem_ref):
    xb = x_ref[...]
    xw_ref[...] = jnp.dot(xb, wg_ref[...], preferred_element_type=jnp.float32)
    zsem_ref[...] = (
        jnp.dot(xb, wps_ref[...], preferred_element_type=jnp.float32) + bps_ref[...]
    )


def _tc2_body(degt_ref, xw_ref, y_ref):
    deg = degt_ref[:, 0:1] + degt_ref[:, 1:2] + 1.0
    dis = lax.rsqrt(deg)
    y_ref[...] = xw_ref[...] * dis


def _tc3_body(degt_ref, ap_ref, xw_ref, zsem_ref, wpt_ref, bpt_ref,
              wcls_ref, bcls_ref, bgcn_ref, zt_ref, lg_ref, an_ref):
    acc = ap_ref[0] + ap_ref[1]
    deg = degt_ref[:, 0:1] + degt_ref[:, 1:2] + 1.0
    dis = lax.rsqrt(deg)
    h = acc * dis + xw_ref[...] * (dis * dis) + bgcn_ref[...]
    h = jnp.maximum(h, 0.0)
    zt = jnp.dot(h, wpt_ref[...], preferred_element_type=jnp.float32) + bpt_ref[...]
    lg = jnp.dot(zt, wcls_ref[...], preferred_element_type=jnp.float32) + bcls_ref[...]
    diff = zt - zsem_ref[...]
    an_ref[...] = jnp.sqrt(jnp.sum(diff * diff, axis=1, keepdims=True))
    zt_ref[...] = zt
    lg_ref[...] = lg


def kernel(x, edge_index, W_gcn, b_gcn, W_pt, b_pt, W_ps, b_ps, W_cls, b_cls):
    n, d = x.shape
    h = W_gcn.shape[1]
    a = W_pt.shape[1]
    ncls = W_cls.shape[1]
    e = edge_index.shape[1]

    npad = ((n + 1 + 127) // 128) * 128
    ch = -(-e // (NW * K))
    ep = NW * ch * K

    src = edge_index[0]
    dst = edge_index[1]
    padi = jnp.full((ep - e,), n, jnp.int32)
    srcp = jnp.concatenate([src, padi]).reshape(NW, ch, K)
    dstp = jnp.concatenate([dst, padi]).reshape(NW, ch, K)
    xp = jnp.concatenate([x, jnp.zeros((npad - n, d), x.dtype)], axis=0)
    zeros_n = jnp.zeros((npad,), jnp.float32)
    zeros_nh = jnp.zeros((npad, h), jnp.float32)

    bn = npad // 8

    xw, z_sem = pl.pallas_call(
        _tc1_body,
        grid=(8,),
        in_specs=[
            pl.BlockSpec((bn, d), lambda i: (i, 0)),
            pl.BlockSpec((d, h), lambda i: (0, 0)),
            pl.BlockSpec((d, a), lambda i: (0, 0)),
            pl.BlockSpec((1, a), lambda i: (0, 0)),
        ],
        out_specs=[
            pl.BlockSpec((bn, h), lambda i: (i, 0)),
            pl.BlockSpec((bn, a), lambda i: (i, 0)),
        ],
        out_shape=[
            jax.ShapeDtypeStruct((npad, h), jnp.float32),
            jax.ShapeDtypeStruct((npad, a), jnp.float32),
        ],
    )(xp, W_gcn, W_ps, b_ps.reshape(1, a))

    deg_parts = _deg_kernel(npad, ch)(dstp, zeros_n)
    deg_t = deg_parts.reshape(NC, npad).T

    y = pl.pallas_call(
        _tc2_body,
        grid=(8,),
        in_specs=[
            pl.BlockSpec((bn, NC), lambda i: (i, 0)),
            pl.BlockSpec((bn, h), lambda i: (i, 0)),
        ],
        out_specs=pl.BlockSpec((bn, h), lambda i: (i, 0)),
        out_shape=jax.ShapeDtypeStruct((npad, h), jnp.float32),
    )(deg_t, xw)

    acc_parts = _segsum_kernel(npad, ch, h)(y, srcp, dstp, zeros_nh)

    z_topo, logits, anomaly = pl.pallas_call(
        _tc3_body,
        grid=(8,),
        in_specs=[
            pl.BlockSpec((bn, NC), lambda i: (i, 0)),
            pl.BlockSpec((NC, bn, h), lambda i: (0, i, 0)),
            pl.BlockSpec((bn, h), lambda i: (i, 0)),
            pl.BlockSpec((bn, a), lambda i: (i, 0)),
            pl.BlockSpec((h, a), lambda i: (0, 0)),
            pl.BlockSpec((1, a), lambda i: (0, 0)),
            pl.BlockSpec((a, ncls), lambda i: (0, 0)),
            pl.BlockSpec((1, ncls), lambda i: (0, 0)),
            pl.BlockSpec((1, h), lambda i: (0, 0)),
        ],
        out_specs=[
            pl.BlockSpec((bn, a), lambda i: (i, 0)),
            pl.BlockSpec((bn, ncls), lambda i: (i, 0)),
            pl.BlockSpec((bn, 1), lambda i: (i, 0)),
        ],
        out_shape=[
            jax.ShapeDtypeStruct((npad, a), jnp.float32),
            jax.ShapeDtypeStruct((npad, ncls), jnp.float32),
            jax.ShapeDtypeStruct((npad, 1), jnp.float32),
        ],
    )(deg_t, acc_parts, xw, z_sem, W_pt, b_pt.reshape(1, a),
      W_cls, b_cls.reshape(1, ncls), b_gcn.reshape(1, h))

    return (logits[:n], anomaly[:n, 0], z_topo[:n], z_sem[:n])

# --- scband reference (transcript-rebuilt; emitter-appended) ---
"""Pipeline reference for scband-node-anomaly-aware-model-7103875908248 (READ-ONLY COPY).

The authoritative reference and input builder live on the scoring server;
editing this copy changes nothing except your own understanding.
"""

import jax, jax.numpy as jnp
import numpy as np

N, E, D, H, A, C = 10000, 320000, 128, 64, 32, 7


def setup_inputs(seed: int = 0) -> dict:
    key = jax.random.key(seed)
    ks = jax.random.split(key, 12)
    x = jax.random.normal(ks[0], (N, D), dtype=jnp.float32)
    edge_index = jax.random.randint(ks[1], (2, E), 0, N, dtype=jnp.int32)
    W_gcn = jax.random.normal(ks[2], (D, H), dtype=jnp.float32) * (1.0 / np.sqrt(D))
    b_gcn = jnp.zeros((H,), dtype=jnp.float32)
    W_pt = jax.random.normal(ks[3], (H, A), dtype=jnp.float32) * (1.0 / np.sqrt(H))
    b_pt = jnp.zeros((A,), dtype=jnp.float32)
    W_ps = jax.random.normal(ks[4], (D, A), dtype=jnp.float32) * (1.0 / np.sqrt(D))
    b_ps = jnp.zeros((A,), dtype=jnp.float32)
    W_cls = jax.random.normal(ks[5], (A, C), dtype=jnp.float32) * (1.0 / np.sqrt(A))
    b_cls = jnp.zeros((C,), dtype=jnp.float32)
    return {"x": x, "edge_index": edge_index, "W_gcn": W_gcn, "b_gcn": b_gcn,
            "W_pt": W_pt, "b_pt": b_pt, "W_ps": W_ps, "b_ps": b_ps,
            "W_cls": W_cls, "b_cls": b_cls}


def reference(x, edge_index, W_gcn, b_gcn, W_pt, b_pt, W_ps, b_ps, W_cls, b_cls):
    n = x.shape[0]
    src = edge_index[0]
    dst = edge_index[1]
    loop = jnp.arange(n, dtype=src.dtype)
    src2 = jnp.concatenate([src, loop])
    dst2 = jnp.concatenate([dst, loop])
    # GCNConv: symmetric normalization with self-loops
    deg = jnp.zeros((n,), dtype=x.dtype).at[dst2].add(1.0)
    dis = jnp.where(deg > 0, jax.lax.rsqrt(jnp.maximum(deg, 1e-12)), 0.0)
    norm = dis[src2] * dis[dst2]
    xw = x @ W_gcn
    msg = jnp.take(xw, src2, axis=0) * norm[:, None]
    h_topo = jnp.zeros((n, xw.shape[1]), dtype=x.dtype).at[dst2].add(msg) + b_gcn
    h_topo = jax.nn.relu(h_topo)
    z_topo = h_topo @ W_pt + b_pt
    z_sem = x @ W_ps + b_ps
    logits = z_topo @ W_cls + b_cls
    diff = z_topo - z_sem
    anomaly_scores = jnp.sqrt(jnp.sum(diff * diff, axis=-1))
    return (logits, anomaly_scores, z_topo, z_sem)

if __name__ == "__main__":
    import jax
    _d = setup_inputs()
    print(jax.jit(kernel)(*tuple(_d.values())))

</pallas_src>

<mosaic_0001>
#map = affine_map<(d0, d1) -> (0, 0, 0)>
#map1 = affine_map<(d0, d1) -> (0)>
module attributes {stable_mosaic.version = 14 : i64} {
  func.func @deg_kernel(%arg0: i32, %arg1: i32, %arg2: memref<32x79x128xi32, #tpu.memory_space<hbm>>, %arg3: memref<10112xf32, #tpu.memory_space<hbm>>, %arg4: memref<20224xf32, #tpu.memory_space<hbm>>, %arg5: memref<10112xf32, #tpu.memory_space<vmem_shared>>, %arg6: memref<79x128xi32, #tpu.memory_space<vmem>>, %arg7: memref<128xf32, #tpu.memory_space<vmem>>, %arg8: memref<632xf32, #tpu.memory_space<vmem>>, %arg9: memref<!tpu.dma_semaphore, #tpu.memory_space<semaphore_mem>>) attributes {dimension_semantics = [#tpu.dimension_semantics<core_parallel>, #tpu.dimension_semantics<subcore_parallel>], iteration_bounds = array<i64: 2, 16>, scalar_prefetch = 0 : i64, scratch_operands = 5 : i64, tpu.core_type = #tpu.core_type<sc_vector_subcore>, window_params = [{transform_indices = #map}, {transform_indices = #map1}, {transform_indices = #map1}]} {
    %mul3A = arith.constant 2 : i32
    %mul3A_0 = arith.muli %arg1, %mul3A : i32
    %add3A = arith.addi %mul3A_0, %arg0 : i32
    %mul3A_1 = arith.constant 632 : i32
    %mul3A_2 = arith.muli %arg1, %mul3A_1 : i32
    "tpu.region"() ({
      %run_scoped3A = tpu.sem_alloc : memref<!tpu.dma_semaphore, #tpu.memory_space<semaphore_mem>>
      %dma_start3A = tpu.memref_slice %arg3[%mul3A_2] : memref<10112xf32, #tpu.memory_space<hbm>> -> memref<632xf32, #tpu.memory_space<hbm>>
      %dma_start3A_22 = tpu.memref_slice %arg3[%mul3A_2] : memref<10112xf32, #tpu.memory_space<hbm>> -> memref<632xf32, #tpu.memory_space<hbm>>
      tpu.enqueue_dma source(%dma_start3A_22 : memref<632xf32, #tpu.memory_space<hbm>>) target(%arg8 : memref<632xf32, #tpu.memory_space<vmem>>) target_semaphore(%run_scoped3A : memref<!tpu.dma_semaphore, #tpu.memory_space<semaphore_mem>>)
      %dma_wait3A = tpu.memref_slice %arg3[%mul3A_2] : memref<10112xf32, #tpu.memory_space<hbm>> -> memref<632xf32, #tpu.memory_space<hbm>>
      %dma_wait3A_23 = tpu.memref_slice %arg3[%mul3A_2] : memref<10112xf32, #tpu.memory_space<hbm>> -> memref<632xf32, #tpu.memory_space<hbm>>
      tpu.wait_dma2 semaphore(%run_scoped3A : memref<!tpu.dma_semaphore, #tpu.memory_space<semaphore_mem>>) src(%dma_wait3A_23 : memref<632xf32, #tpu.memory_space<hbm>>) dst(%arg8 : memref<632xf32, #tpu.memory_space<vmem>>)
      tpu.yield
    }) : () -> ()
    %mul3A_3 = arith.constant 632 : i32
    %mul3A_4 = arith.muli %arg1, %mul3A_3 : i32
    "tpu.region"() ({
      %run_scoped3A = tpu.sem_alloc : memref<!tpu.dma_semaphore, #tpu.memory_space<semaphore_mem>>
      %dma_start3A = tpu.memref_slice %arg5[%mul3A_4] : memref<10112xf32, #tpu.memory_space<vmem_shared>> -> memref<632xf32, #tpu.memory_space<vmem_shared>>
      %dma_start3A_22 = tpu.memref_slice %arg5[%mul3A_4] : memref<10112xf32, #tpu.memory_space<vmem_shared>> -> memref<632xf32, #tpu.memory_space<vmem_shared>>
      tpu.enqueue_dma source(%arg8 : memref<632xf32, #tpu.memory_space<vmem>>) target(%dma_start3A_22 : memref<632xf32, #tpu.memory_space<vmem_shared>>) target_semaphore(%run_scoped3A : memref<!tpu.dma_semaphore, #tpu.memory_space<semaphore_mem>>)
      %dma_wait3A = tpu.memref_slice %arg5[%mul3A_4] : memref<10112xf32, #tpu.memory_space<vmem_shared>> -> memref<632xf32, #tpu.memory_space<vmem_shared>>
      %dma_wait3A_23 = tpu.memref_slice %arg5[%mul3A_4] : memref<10112xf32, #tpu.memory_space<vmem_shared>> -> memref<632xf32, #tpu.memory_space<vmem_shared>>
      tpu.wait_dma2 semaphore(%run_scoped3A : memref<!tpu.dma_semaphore, #tpu.memory_space<semaphore_mem>>) src(%arg8 : memref<632xf32, #tpu.memory_space<vmem>>) dst(%dma_wait3A_23 : memref<632xf32, #tpu.memory_space<vmem_shared>>)
      tpu.yield
    }) : () -> ()
    %scan3A = arith.constant 0 : i32
    %scan3A_5 = arith.constant 8 : i32
    %scan3A_6 = arith.addi %scan3A, %scan3A_5 : i32
    %scan3A_7 = arith.constant 1 : i32
    scf.for %scan3A_22 = %scan3A to %scan3A_6 step %scan3A_7  : i32 {
      %mul3A_23 = arith.constant 16 : i32
      %mul3A_24 = arith.muli %scan3A_22, %mul3A_23 : i32
      %add3A_25 = arith.constant 0 : i32
      %add3A_26 = arith.addi %add3A_25, %mul3A_24 : i32
      %broadcast_in_dim3A = arith.constant 1.000000e+00 : f32
      %broadcast_in_dim3A_27 = vector.broadcast %broadcast_in_dim3A : f32 to vector<16xf32>
      %swap3A = arith.index_cast %add3A_26 : i32 to index
      %swap3A_28 = tpu.vector_load %arg7[%swap3A] {strides = array<i32>} : memref<128xf32, #tpu.memory_space<vmem>>, vector<16xf32>,
      %swap3A_29 = vector.shape_cast %swap3A_28 : vector<16xf32> to vector<16xf32>
      %swap3A_30 = vector.shape_cast %broadcast_in_dim3A_27 : vector<16xf32> to vector<16xf32>
      tpu.vector_store %arg7[%swap3A], %swap3A_30 {strides = array<i32>} : memref<128xf32, #tpu.memory_space<vmem>>, vector<16xf32>,
    }
    %scan3A_8 = arith.constant 8 : i32
    "tpu.region"() ({
      %run_scoped3A = tpu.sem_alloc : memref<!tpu.dma_semaphore, #tpu.memory_space<semaphore_mem>>
      %dma_start3A = arith.constant 0 : i32
      %dma_start3A_22 = arith.constant 0 : i32
      %dma_start3A_23 = tpu.memref_slice %arg2[%add3A, %dma_start3A, %dma_start3A_22] : memref<32x79x128xi32, #tpu.memory_space<hbm>> -> memref<1x79x128xi32, #tpu.memory_space<hbm>>
      %dma_start3A_24 = tpu.memref_squeeze %dma_start3A_23 : memref<1x79x128xi32, #tpu.memory_space<hbm>> -> memref<79x128xi32, #tpu.memory_space<hbm>>
      %dma_start3A_25 = arith.constant 0 : i32
      %dma_start3A_26 = arith.constant 0 : i32
      %dma_start3A_27 = tpu.memref_slice %arg2[%add3A, %dma_start3A_25, %dma_start3A_26] : memref<32x79x128xi32, #tpu.memory_space<hbm>> -> memref<1x79x128xi32, #tpu.memory_space<hbm>>
      %dma_start3A_28 = tpu.memref_squeeze %dma_start3A_27 : memref<1x79x128xi32, #tpu.memory_space<hbm>> -> memref<79x128xi32, #tpu.memory_space<hbm>>
      tpu.enqueue_dma source(%dma_start3A_28 : memref<79x128xi32, #tpu.memory_space<hbm>>) target(%arg6 : memref<79x128xi32, #tpu.memory_space<vmem>>) target_semaphore(%run_scoped3A : memref<!tpu.dma_semaphore, #tpu.memory_space<semaphore_mem>>)
      %dma_wait3A = arith.constant 0 : i32
      %dma_wait3A_29 = arith.constant 0 : i32
      %dma_wait3A_30 = tpu.memref_slice %arg2[%add3A, %dma_wait3A, %dma_wait3A_29] : memref<32x79x128xi32, #tpu.memory_space<hbm>> -> memref<1x79x128xi32, #tpu.memory_space<hbm>>
      %dma_wait3A_31 = tpu.memref_squeeze %dma_wait3A_30 : memref<1x79x128xi32, #tpu.memory_space<hbm>> -> memref<79x128xi32, #tpu.memory_space<hbm>>
      %dma_wait3A_32 = arith.constant 0 : i32
      %dma_wait3A_33 = arith.constant 0 : i32
      %dma_wait3A_34 = tpu.memref_slice %arg2[%add3A, %dma_wait3A_32, %dma_wait3A_33] : memref<32x79x128xi32, #tpu.memory_space<hbm>> -> memref<1x79x128xi32, #tpu.memory_space<hbm>>
      %dma_wait3A_35 = tpu.memref_squeeze %dma_wait3A_34 : memref<1x79x128xi32, #tpu.memory_space<hbm>> -> memref<79x128xi32, #tpu.memory_space<hbm>>
      tpu.wait_dma2 semaphore(%run_scoped3A : memref<!tpu.dma_semaphore, #tpu.memory_space<semaphore_mem>>) src(%dma_wait3A_35 : memref<79x128xi32, #tpu.memory_space<hbm>>) dst(%arg6 : memref<79x128xi32, #tpu.memory_space<vmem>>)
      tpu.yield
    }) : () -> ()
    %barrier3A = arith.constant 0 : index
    tpu.barrier barrier_id(%barrier3A)
    %scan3A_9 = arith.constant 0 : i32
    %scan3A_10 = arith.constant 79 : i32
    %scan3A_11 = arith.addi %scan3A_9, %scan3A_10 : i32
    %scan3A_12 = arith.constant 1 : i32
    scf.for %scan3A_22 = %scan3A_9 to %scan3A_11 step %scan3A_12  : i32 {
      %mul3A_23 = arith.constant 1 : i32
      %mul3A_24 = arith.muli %scan3A_22, %mul3A_23 : i32
      %add3A_25 = arith.constant 0 : i32
      %add3A_26 = arith.addi %add3A_25, %mul3A_24 : i32
      "tpu.region"() ({
        %run_scoped3A = tpu.sem_alloc : memref<!tpu.dma_semaphore, #tpu.memory_space<semaphore_mem>>
        %dma_start3A = arith.constant 0 : i32
        %dma_start3A_27 = tpu.memref_slice %arg6[%add3A_26, %dma_start3A] : memref<79x128xi32, #tpu.memory_space<vmem>> -> memref<1x128xi32, #tpu.memory_space<vmem>>
        %dma_start3A_28 = tpu.memref_squeeze %dma_start3A_27 : memref<1x128xi32, #tpu.memory_space<vmem>> -> memref<128xi32, #tpu.memory_space<vmem>>
        %dma_start3A_29 = arith.constant 0 : i32
        %dma_start3A_30 = tpu.memref_slice %arg5[%dma_start3A_29] : memref<10112xf32, #tpu.memory_space<vmem_shared>> -> memref<10112xf32, #tpu.memory_space<vmem_shared>>
        tpu.enqueue_indirect_dma source(%arg7 : memref<128xf32, #tpu.memory_space<vmem>>) target(%dma_start3A_30 : memref<10112xf32, #tpu.memory_space<vmem_shared>>) offsets(%dma_start3A_28 : memref<128xi32, #tpu.memory_space<vmem>>) semaphore(%run_scoped3A : memref<!tpu.dma_semaphore, #tpu.memory_space<semaphore_mem>>) {add = true}
        %dma_wait3A = arith.constant 0 : i32
        %dma_wait3A_31 = tpu.memref_slice %arg6[%add3A_26, %dma_wait3A] : memref<79x128xi32, #tpu.memory_space<vmem>> -> memref<1x128xi32, #tpu.memory_space<vmem>>
        %dma_wait3A_32 = tpu.memref_squeeze %dma_wait3A_31 : memref<1x128xi32, #tpu.memory_space<vmem>> -> memref<128xi32, #tpu.memory_space<vmem>>
        %dma_wait3A_33 = arith.constant 0 : i32
        %dma_wait3A_34 = tpu.memref_slice %arg5[%dma_wait3A_33] : memref<10112xf32, #tpu.memory_space<vmem_shared>> -> memref<10112xf32, #tpu.memory_space<vmem_shared>>
        tpu.wait_indirect_dma semaphore(%run_scoped3A : memref<!tpu.dma_semaphore, #tpu.memory_space<semaphore_mem>>) src(%arg7 : memref<128xf32, #tpu.memory_space<vmem>>) dst(%dma_wait3A_34 : memref<10112xf32, #tpu.memory_space<vmem_shared>>)
        tpu.yield
      }) : () -> ()
    }
    %scan3A_13 = arith.constant 79 : i32
    %barrier3A_14 = arith.constant 0 : index
    tpu.barrier barrier_id(%barrier3A_14)
    %mul3A_15 = arith.constant 632 : i32
    %mul3A_16 = arith.muli %arg1, %mul3A_15 : i32
    "tpu.region"() ({
      %run_scoped3A = tpu.sem_alloc : memref<!tpu.dma_semaphore, #tpu.memory_space<semaphore_mem>>
      %dma_start3A = tpu.memref_slice %arg5[%mul3A_16] : memref<10112xf32, #tpu.memory_space<vmem_shared>> -> memref<632xf32, #tpu.memory_space<vmem_shared>>
      %dma_start3A_22 = tpu.memref_slice %arg5[%mul3A_16] : memref<10112xf32, #tpu.memory_space<vmem_shared>> -> memref<632xf32, #tpu.memory_space<vmem_shared>>
      tpu.enqueue_dma source(%dma_start3A_22 : memref<632xf32, #tpu.memory_space<vmem_shared>>) target(%arg8 : memref<632xf32, #tpu.memory_space<vmem>>) target_semaphore(%run_scoped3A : memref<!tpu.dma_semaphore, #tpu.memory_space<semaphore_mem>>)
      %dma_wait3A = tpu.memref_slice %arg5[%mul3A_16] : memref<10112xf32, #tpu.memory_space<vmem_shared>> -> memref<632xf32, #tpu.memory_space<vmem_shared>>
      %dma_wait3A_23 = tpu.memref_slice %arg5[%mul3A_16] : memref<10112xf32, #tpu.memory_space<vmem_shared>> -> memref<632xf32, #tpu.memory_space<vmem_shared>>
      tpu.wait_dma2 semaphore(%run_scoped3A : memref<!tpu.dma_semaphore, #tpu.memory_space<semaphore_mem>>) src(%dma_wait3A_23 : memref<632xf32, #tpu.memory_space<vmem_shared>>) dst(%arg8 : memref<632xf32, #tpu.memory_space<vmem>>)
      tpu.yield
    }) : () -> ()
    %mul3A_17 = arith.constant 10112 : i32
    %mul3A_18 = arith.muli %arg0, %mul3A_17 : i32
    %mul3A_19 = arith.constant 632 : i32
    %mul3A_20 = arith.muli %arg1, %mul3A_19 : i32
    %add3A_21 = arith.addi %mul3A_18, %mul3A_20 : i32
    "tpu.region"() ({
      %run_scoped3A = tpu.sem_alloc : memref<!tpu.dma_semaphore, #tpu.memory_space<semaphore_mem>>
      %dma_start3A = tpu.memref_slice %arg4[%add3A_21] : memref<20224xf32, #tpu.memory_space<hbm>> -> memref<632xf32, #tpu.memory_space<hbm>>
      %dma_start3A_22 = tpu.memref_slice %arg4[%add3A_21] : memref<20224xf32, #tpu.memory_space<hbm>> -> memref<632xf32, #tpu.memory_space<hbm>>
      tpu.enqueue_dma source(%arg8 : memref<632xf32, #tpu.memory_space<vmem>>) target(%dma_start3A_22 : memref<632xf32, #tpu.memory_space<hbm>>) target_semaphore(%run_scoped3A : memref<!tpu.dma_semaphore, #tpu.memory_space<semaphore_mem>>)
      %dma_wait3A = tpu.memref_slice %arg4[%add3A_21] : memref<20224xf32, #tpu.memory_space<hbm>> -> memref<632xf32, #tpu.memory_space<hbm>>
      %dma_wait3A_23 = tpu.memref_slice %arg4[%add3A_21] : memref<20224xf32, #tpu.memory_space<hbm>> -> memref<632xf32, #tpu.memory_space<hbm>>
      tpu.wait_dma2 semaphore(%run_scoped3A : memref<!tpu.dma_semaphore, #tpu.memory_space<semaphore_mem>>) src(%arg8 : memref<632xf32, #tpu.memory_space<vmem>>) dst(%dma_wait3A_23 : memref<632xf32, #tpu.memory_space<hbm>>)
      tpu.yield
    }) : () -> ()
    return
  }
}

#map = affine_map<(d0, d1) -> (0, 0)>
#map1 = affine_map<(d0, d1) -> (0, 0, 0)>
module attributes {stable_mosaic.version = 14 : i64} {
  func.func @seg_kernel(%arg0: i32, %arg1: i32, %arg2: memref<10112x64xf32, #tpu.memory_space<hbm>>, %arg3: memref<32x79x128xi32, #tpu.memory_space<hbm>>, %arg4: memref<32x79x128xi32, #tpu.memory_space<hbm>>, %arg5: memref<10112x64xf32, #tpu.memory_space<hbm>>, %arg6: memref<2x10112x64xf32, #tpu.memory_space<hbm>>, %arg7: memref<10112x64xf32, #tpu.memory_space<vmem_shared>>, %arg8: memref<79x128xi32, #tpu.memory_space<vmem>>, %arg9: memref<79x128xi32, #tpu.memory_space<vmem>>, %arg10: memref<128x64xf32, #tpu.memory_space<vmem>>, %arg11: memref<632x64xf32, #tpu.memory_space<vmem>>, %arg12: memref<!tpu.dma_semaphore, #tpu.memory_space<semaphore_mem>>) attributes {dimension_semantics = [#tpu.dimension_semantics<core_parallel>, #tpu.dimension_semantics<subcore_parallel>], iteration_bounds = array<i64: 2, 16>, scalar_prefetch = 0 : i64, scratch_operands = 6 : i64, tpu.core_type = #tpu.core_type<sc_vector_subcore>, window_params = [{transform_indices = #map}, {transform_indices = #map1}, {transform_indices = #map1}, {transform_indices = #map}, {transform_indices = #map1}]} {
    %mul3A = arith.constant 2 : i32
    %mul3A_0 = arith.muli %arg1, %mul3A : i32
    %add3A = arith.addi %mul3A_0, %arg0 : i32
    %mul3A_1 = arith.constant 632 : i32
    %mul3A_2 = arith.muli %arg1, %mul3A_1 : i32
    "tpu.region"() ({
      %run_scoped3A = tpu.sem_alloc : memref<!tpu.dma_semaphore, #tpu.memory_space<semaphore_mem>>
      %dma_start3A = arith.constant 0 : i32
      %dma_start3A_14 = tpu.memref_slice %arg5[%mul3A_2, %dma_start3A] : memref<10112x64xf32, #tpu.memory_space<hbm>> -> memref<632x64xf32, #tpu.memory_space<hbm>>
      %dma_start3A_15 = arith.constant 0 : i32
      %dma_start3A_16 = tpu.memref_slice %arg5[%mul3A_2, %dma_start3A_15] : memref<10112x64xf32, #tpu.memory_space<hbm>> -> memref<632x64xf32, #tpu.memory_space<hbm>>
      tpu.enqueue_dma source(%dma_start3A_16 : memref<632x64xf32, #tpu.memory_space<hbm>>) target(%arg11 : memref<632x64xf32, #tpu.memory_space<vmem>>) target_semaphore(%run_scoped3A : memref<!tpu.dma_semaphore, #tpu.memory_space<semaphore_mem>>)
      %dma_wait3A = arith.constant 0 : i32
      %dma_wait3A_17 = tpu.memref_slice %arg5[%mul3A_2, %dma_wait3A] : memref<10112x64xf32, #tpu.memory_space<hbm>> -> memref<632x64xf32, #tpu.memory_space<hbm>>
      %dma_wait3A_18 = arith.constant 0 : i32
      %dma_wait3A_19 = tpu.memref_slice %arg5[%mul3A_2, %dma_wait3A_18] : memref<10112x64xf32, #tpu.memory_space<hbm>> -> memref<632x64xf32, #tpu.memory_space<hbm>>
      tpu.wait_dma2 semaphore(%run_scoped3A : memref<!tpu.dma_semaphore, #tpu.memory_space<semaphore_mem>>) src(%dma_wait3A_19 : memref<632x64xf32, #tpu.memory_space<hbm>>) dst(%arg11 : memref<632x64xf32, #tpu.memory_space<vmem>>)
      tpu.yield
    }) : () -> ()
    %mul3A_3 = arith.constant 632 : i32
    %mul3A_4 = arith.muli %arg1, %mul3A_3 : i32
    "tpu.region"() ({
      %run_scoped3A = tpu.sem_alloc : memref<!tpu.dma_semaphore, #tpu.memory_space<semaphore_mem>>
      %dma_start3A = arith.constant 0 : i32
      %dma_start3A_14 = tpu.memref_slice %arg7[%mul3A_4, %dma_start3A] : memref<10112x64xf32, #tpu.memory_space<vmem_shared>> -> memref<632x64xf32, #tpu.memory_space<vmem_shared>>
      %dma_start3A_15 = arith.constant 0 : i32
      %dma_start3A_16 = tpu.memref_slice %arg7[%mul3A_4, %dma_start3A_15] : memref<10112x64xf32, #tpu.memory_space<vmem_shared>> -> memref<632x64xf32, #tpu.memory_space<vmem_shared>>
      tpu.enqueue_dma source(%arg11 : memref<632x64xf32, #tpu.memory_space<vmem>>) target(%dma_start3A_16 : memref<632x64xf32, #tpu.memory_space<vmem_shared>>) target_semaphore(%run_scoped3A : memref<!tpu.dma_semaphore, #tpu.memory_space<semaphore_mem>>)
      %dma_wait3A = arith.constant 0 : i32
      %dma_wait3A_17 = tpu.memref_slice %arg7[%mul3A_4, %dma_wait3A] : memref<10112x64xf32, #tpu.memory_space<vmem_shared>> -> memref<632x64xf32, #tpu.memory_space<vmem_shared>>
      %dma_wait3A_18 = arith.constant 0 : i32
      %dma_wait3A_19 = tpu.memref_slice %arg7[%mul3A_4, %dma_wait3A_18] : memref<10112x64xf32, #tpu.memory_space<vmem_shared>> -> memref<632x64xf32, #tpu.memory_space<vmem_shared>>
      tpu.wait_dma2 semaphore(%run_scoped3A : memref<!tpu.dma_semaphore, #tpu.memory_space<semaphore_mem>>) src(%arg11 : memref<632x64xf32, #tpu.memory_space<vmem>>) dst(%dma_wait3A_19 : memref<632x64xf32, #tpu.memory_space<vmem_shared>>)
      tpu.yield
    }) : () -> ()
    "tpu.region"() ({
      %run_scoped3A = tpu.sem_alloc : memref<!tpu.dma_semaphore, #tpu.memory_space<semaphore_mem>>
      %dma_start3A = arith.constant 0 : i32
      %dma_start3A_14 = arith.constant 0 : i32
      %dma_start3A_15 = tpu.memref_slice %arg3[%add3A, %dma_start3A, %dma_start3A_14] : memref<32x79x128xi32, #tpu.memory_space<hbm>> -> memref<1x79x128xi32, #tpu.memory_space<hbm>>
      %dma_start3A_16 = tpu.memref_squeeze %dma_start3A_15 : memref<1x79x128xi32, #tpu.memory_space<hbm>> -> memref<79x128xi32, #tpu.memory_space<hbm>>
      %dma_start3A_17 = arith.constant 0 : i32
      %dma_start3A_18 = arith.constant 0 : i32
      %dma_start3A_19 = tpu.memref_slice %arg3[%add3A, %dma_start3A_17, %dma_start3A_18] : memref<32x79x128xi32, #tpu.memory_space<hbm>> -> memref<1x79x128xi32, #tpu.memory_space<hbm>>
      %dma_start3A_20 = tpu.memref_squeeze %dma_start3A_19 : memref<1x79x128xi32, #tpu.memory_space<hbm>> -> memref<79x128xi32, #tpu.memory_space<hbm>>
      tpu.enqueue_dma source(%dma_start3A_20 : memref<79x128xi32, #tpu.memory_space<hbm>>) target(%arg8 : memref<79x128xi32, #tpu.memory_space<vmem>>) target_semaphore(%run_scoped3A : memref<!tpu.dma_semaphore, #tpu.memory_space<semaphore_mem>>)
      %dma_wait3A = arith.constant 0 : i32
      %dma_wait3A_21 = arith.constant 0 : i32
      %dma_wait3A_22 = tpu.memref_slice %arg3[%add3A, %dma_wait3A, %dma_wait3A_21] : memref<32x79x128xi32, #tpu.memory_space<hbm>> -> memref<1x79x128xi32, #tpu.memory_space<hbm>>
      %dma_wait3A_23 = tpu.memref_squeeze %dma_wait3A_22 : memref<1x79x128xi32, #tpu.memory_space<hbm>> -> memref<79x128xi32, #tpu.memory_space<hbm>>
      %dma_wait3A_24 = arith.constant 0 : i32
      %dma_wait3A_25 = arith.constant 0 : i32
      %dma_wait3A_26 = tpu.memref_slice %arg3[%add3A, %dma_wait3A_24, %dma_wait3A_25] : memref<32x79x128xi32, #tpu.memory_space<hbm>> -> memref<1x79x128xi32, #tpu.memory_space<hbm>>
      %dma_wait3A_27 = tpu.memref_squeeze %dma_wait3A_26 : memref<1x79x128xi32, #tpu.memory_space<hbm>> -> memref<79x128xi32, #tpu.memory_space<hbm>>
      tpu.wait_dma2 semaphore(%run_scoped3A : memref<!tpu.dma_semaphore, #tpu.memory_space<semaphore_mem>>) src(%dma_wait3A_27 : memref<79x128xi32, #tpu.memory_space<hbm>>) dst(%arg8 : memref<79x128xi32, #tpu.memory_space<vmem>>)
      tpu.yield
    }) : () -> ()
    "tpu.region"() ({
      %run_scoped3A = tpu.sem_alloc : memref<!tpu.dma_semaphore, #tpu.memory_space<semaphore_mem>>
      %dma_start3A = arith.constant 0 : i32
      %dma_start3A_14 = arith.constant 0 : i32
      %dma_start3A_15 = tpu.memref_slice %arg4[%add3A, %dma_start3A, %dma_start3A_14] : memref<32x79x128xi32, #tpu.memory_space<hbm>> -> memref<1x79x128xi32, #tpu.memory_space<hbm>>
      %dma_start3A_16 = tpu.memref_squeeze %dma_start3A_15 : memref<1x79x128xi32, #tpu.memory_space<hbm>> -> memref<79x128xi32, #tpu.memory_space<hbm>>
      %dma_start3A_17 = arith.constant 0 : i32
      %dma_start3A_18 = arith.constant 0 : i32
      %dma_start3A_19 = tpu.memref_slice %arg4[%add3A, %dma_start3A_17, %dma_start3A_18] : memref<32x79x128xi32, #tpu.memory_space<hbm>> -> memref<1x79x128xi32, #tpu.memory_space<hbm>>
      %dma_start3A_20 = tpu.memref_squeeze %dma_start3A_19 : memref<1x79x128xi32, #tpu.memory_space<hbm>> -> memref<79x128xi32, #tpu.memory_space<hbm>>
      tpu.enqueue_dma source(%dma_start3A_20 : memref<79x128xi32, #tpu.memory_space<hbm>>) target(%arg9 : memref<79x128xi32, #tpu.memory_space<vmem>>) target_semaphore(%run_scoped3A : memref<!tpu.dma_semaphore, #tpu.memory_space<semaphore_mem>>)
      %dma_wait3A = arith.constant 0 : i32
      %dma_wait3A_21 = arith.constant 0 : i32
      %dma_wait3A_22 = tpu.memref_slice %arg4[%add3A, %dma_wait3A, %dma_wait3A_21] : memref<32x79x128xi32, #tpu.memory_space<hbm>> -> memref<1x79x128xi32, #tpu.memory_space<hbm>>
      %dma_wait3A_23 = tpu.memref_squeeze %dma_wait3A_22 : memref<1x79x128xi32, #tpu.memory_space<hbm>> -> memref<79x128xi32, #tpu.memory_space<hbm>>
      %dma_wait3A_24 = arith.constant 0 : i32
      %dma_wait3A_25 = arith.constant 0 : i32
      %dma_wait3A_26 = tpu.memref_slice %arg4[%add3A, %dma_wait3A_24, %dma_wait3A_25] : memref<32x79x128xi32, #tpu.memory_space<hbm>> -> memref<1x79x128xi32, #tpu.memory_space<hbm>>
      %dma_wait3A_27 = tpu.memref_squeeze %dma_wait3A_26 : memref<1x79x128xi32, #tpu.memory_space<hbm>> -> memref<79x128xi32, #tpu.memory_space<hbm>>
      tpu.wait_dma2 semaphore(%run_scoped3A : memref<!tpu.dma_semaphore, #tpu.memory_space<semaphore_mem>>) src(%dma_wait3A_27 : memref<79x128xi32, #tpu.memory_space<hbm>>) dst(%arg9 : memref<79x128xi32, #tpu.memory_space<vmem>>)
      tpu.yield
    }) : () -> ()
    %barrier3A = arith.constant 0 : index
    tpu.barrier barrier_id(%barrier3A)
    %scan3A = arith.constant 0 : i32
    %scan3A_5 = arith.constant 79 : i32
    %scan3A_6 = arith.addi %scan3A, %scan3A_5 : i32
    %scan3A_7 = arith.constant 1 : i32
    scf.for %scan3A_14 = %scan3A to %scan3A_6 step %scan3A_7  : i32 {
      %mul3A_15 = arith.constant 1 : i32
      %mul3A_16 = arith.muli %scan3A_14, %mul3A_15 : i32
      %add3A_17 = arith.constant 0 : i32
      %add3A_18 = arith.addi %add3A_17, %mul3A_16 : i32
      %dma_start3A = arith.constant 0 : i32
      %dma_start3A_19 = tpu.memref_slice %arg8[%add3A_18, %dma_start3A] : memref<79x128xi32, #tpu.memory_space<vmem>> -> memref<1x128xi32, #tpu.memory_space<vmem>>
      %dma_start3A_20 = tpu.memref_squeeze %dma_start3A_19 : memref<1x128xi32, #tpu.memory_space<vmem>> -> memref<128xi32, #tpu.memory_space<vmem>>
      %dma_start3A_21 = arith.constant 0 : i32
      %dma_start3A_22 = arith.constant 0 : i32
      %dma_start3A_23 = tpu.memref_slice %arg2[%dma_start3A_21, %dma_start3A_22] : memref<10112x64xf32, #tpu.memory_space<hbm>> -> memref<10112x64xf32, #tpu.memory_space<hbm>>
      tpu.enqueue_indirect_dma source(%dma_start3A_23 : memref<10112x64xf32, #tpu.memory_space<hbm>>) target(%arg10 : memref<128x64xf32, #tpu.memory_space<vmem>>) offsets(%dma_start3A_20 : memref<128xi32, #tpu.memory_space<vmem>>) semaphore(%arg12 : memref<!tpu.dma_semaphore, #tpu.memory_space<semaphore_mem>>)
      %dma_wait3A = arith.constant 0 : i32
      %dma_wait3A_24 = tpu.memref_slice %arg8[%add3A_18, %dma_wait3A] : memref<79x128xi32, #tpu.memory_space<vmem>> -> memref<1x128xi32, #tpu.memory_space<vmem>>
      %dma_wait3A_25 = tpu.memref_squeeze %dma_wait3A_24 : memref<1x128xi32, #tpu.memory_space<vmem>> -> memref<128xi32, #tpu.memory_space<vmem>>
      %dma_wait3A_26 = arith.constant 0 : i32
      %dma_wait3A_27 = arith.constant 0 : i32
      %dma_wait3A_28 = tpu.memref_slice %arg2[%dma_wait3A_26, %dma_wait3A_27] : memref<10112x64xf32, #tpu.memory_space<hbm>> -> memref<10112x64xf32, #tpu.memory_space<hbm>>
      tpu.wait_indirect_dma semaphore(%arg12 : memref<!tpu.dma_semaphore, #tpu.memory_space<semaphore_mem>>) src(%dma_wait3A_28 : memref<10112x64xf32, #tpu.memory_space<hbm>>) dst(%arg10 : memref<128x64xf32, #tpu.memory_space<vmem>>)
      "tpu.region"() ({
        %run_scoped3A = tpu.sem_alloc : memref<!tpu.dma_semaphore, #tpu.memory_space<semaphore_mem>>
        %dma_start3A_29 = arith.constant 0 : i32
        %dma_start3A_30 = tpu.memref_slice %arg9[%add3A_18, %dma_start3A_29] : memref<79x128xi32, #tpu.memory_space<vmem>> -> memref<1x128xi32, #tpu.memory_space<vmem>>
        %dma_start3A_31 = tpu.memref_squeeze %dma_start3A_30 : memref<1x128xi32, #tpu.memory_space<vmem>> -> memref<128xi32, #tpu.memory_space<vmem>>
        %dma_start3A_32 = arith.constant 0 : i32
        %dma_start3A_33 = arith.constant 0 : i32
        %dma_start3A_34 = tpu.memref_slice %arg7[%dma_start3A_32, %dma_start3A_33] : memref<10112x64xf32, #tpu.memory_space<vmem_shared>> -> memref<10112x64xf32, #tpu.memory_space<vmem_shared>>
        tpu.enqueue_indirect_dma source(%arg10 : memref<128x64xf32, #tpu.memory_space<vmem>>) target(%dma_start3A_34 : memref<10112x64xf32, #tpu.memory_space<vmem_shared>>) offsets(%dma_start3A_31 : memref<128xi32, #tpu.memory_space<vmem>>) semaphore(%run_scoped3A : memref<!tpu.dma_semaphore, #tpu.memory_space<semaphore_mem>>) {add = true}
        %dma_wait3A_35 = arith.constant 0 : i32
        %dma_wait3A_36 = tpu.memref_slice %arg9[%add3A_18, %dma_wait3A_35] : memref<79x128xi32, #tpu.memory_space<vmem>> -> memref<1x128xi32, #tpu.memory_space<vmem>>
        %dma_wait3A_37 = tpu.memref_squeeze %dma_wait3A_36 : memref<1x128xi32, #tpu.memory_space<vmem>> -> memref<128xi32, #tpu.memory_space<vmem>>
        %dma_wait3A_38 = arith.constant 0 : i32
        %dma_wait3A_39 = arith.constant 0 : i32
        %dma_wait3A_40 = tpu.memref_slice %arg7[%dma_wait3A_38, %dma_wait3A_39] : memref<10112x64xf32, #tpu.memory_space<vmem_shared>> -> memref<10112x64xf32, #tpu.memory_space<vmem_shared>>
        tpu.wait_indirect_dma semaphore(%run_scoped3A : memref<!tpu.dma_semaphore, #tpu.memory_space<semaphore_mem>>) src(%arg10 : memref<128x64xf32, #tpu.memory_space<vmem>>) dst(%dma_wait3A_40 : memref<10112x64xf32, #tpu.memory_space<vmem_shared>>)
        tpu.yield
      }) : () -> ()
    }
    %scan3A_8 = arith.constant 79 : i32
    %barrier3A_9 = arith.constant 0 : index
    tpu.barrier barrier_id(%barrier3A_9)
    %mul3A_10 = arith.constant 632 : i32
    %mul3A_11 = arith.muli %arg1, %mul3A_10 : i32
    "tpu.region"() ({
      %run_scoped3A = tpu.sem_alloc : memref<!tpu.dma_semaphore, #tpu.memory_space<semaphore_mem>>
      %dma_start3A = arith.constant 0 : i32
      %dma_start3A_14 = tpu.memref_slice %arg7[%mul3A_11, %dma_start3A] : memref<10112x64xf32, #tpu.memory_space<vmem_shared>> -> memref<632x64xf32, #tpu.memory_space<vmem_shared>>
      %dma_start3A_15 = arith.constant 0 : i32
      %dma_start3A_16 = tpu.memref_slice %arg7[%mul3A_11, %dma_start3A_15] : memref<10112x64xf32, #tpu.memory_space<vmem_shared>> -> memref<632x64xf32, #tpu.memory_space<vmem_shared>>
      tpu.enqueue_dma source(%dma_start3A_16 : memref<632x64xf32, #tpu.memory_space<vmem_shared>>) target(%arg11 : memref<632x64xf32, #tpu.memory_space<vmem>>) target_semaphore(%run_scoped3A : memref<!tpu.dma_semaphore, #tpu.memory_space<semaphore_mem>>)
      %dma_wait3A = arith.constant 0 : i32
      %dma_wait3A_17 = tpu.memref_slice %arg7[%mul3A_11, %dma_wait3A] : memref<10112x64xf32, #tpu.memory_space<vmem_shared>> -> memref<632x64xf32, #tpu.memory_space<vmem_shared>>
      %dma_wait3A_18 = arith.constant 0 : i32
      %dma_wait3A_19 = tpu.memref_slice %arg7[%mul3A_11, %dma_wait3A_18] : memref<10112x64xf32, #tpu.memory_space<vmem_shared>> -> memref<632x64xf32, #tpu.memory_space<vmem_shared>>
      tpu.wait_dma2 semaphore(%run_scoped3A : memref<!tpu.dma_semaphore, #tpu.memory_space<semaphore_mem>>) src(%dma_wait3A_19 : memref<632x64xf32, #tpu.memory_space<vmem_shared>>) dst(%arg11 : memref<632x64xf32, #tpu.memory_space<vmem>>)
      tpu.yield
    }) : () -> ()
    %mul3A_12 = arith.constant 632 : i32
    %mul3A_13 = arith.muli %arg1, %mul3A_12 : i32
    "tpu.region"() ({
      %run_scoped3A = tpu.sem_alloc : memref<!tpu.dma_semaphore, #tpu.memory_space<semaphore_mem>>
      %dma_start3A = arith.constant 0 : i32
      %dma_start3A_14 = tpu.memref_slice %arg6[%arg0, %mul3A_13, %dma_start3A] : memref<2x10112x64xf32, #tpu.memory_space<hbm>> -> memref<1x632x64xf32, #tpu.memory_space<hbm>>
      %dma_start3A_15 = tpu.memref_squeeze %dma_start3A_14 : memref<1x632x64xf32, #tpu.memory_space<hbm>> -> memref<632x64xf32, #tpu.memory_space<hbm>>
      %dma_start3A_16 = arith.constant 0 : i32
      %dma_start3A_17 = tpu.memref_slice %arg6[%arg0, %mul3A_13, %dma_start3A_16] : memref<2x10112x64xf32, #tpu.memory_space<hbm>> -> memref<1x632x64xf32, #tpu.memory_space<hbm>>
      %dma_start3A_18 = tpu.memref_squeeze %dma_start3A_17 : memref<1x632x64xf32, #tpu.memory_space<hbm>> -> memref<632x64xf32, #tpu.memory_space<hbm>>
      tpu.enqueue_dma source(%arg11 : memref<632x64xf32, #tpu.memory_space<vmem>>) target(%dma_start3A_18 : memref<632x64xf32, #tpu.memory_space<hbm>>) target_semaphore(%run_scoped3A : memref<!tpu.dma_semaphore, #tpu.memory_space<semaphore_mem>>)
      %dma_wait3A = arith.constant 0 : i32
      %dma_wait3A_19 = tpu.memref_slice %arg6[%arg0, %mul3A_13, %dma_wait3A] : memref<2x10112x64xf32, #tpu.memory_space<hbm>> -> memref<1x632x64xf32, #tpu.memory_space<hbm>>
      %dma_wait3A_20 = tpu.memref_squeeze %dma_wait3A_19 : memref<1x632x64xf32, #tpu.memory_space<hbm>> -> memref<632x64xf32, #tpu.memory_space<hbm>>
      %dma_wait3A_21 = arith.constant 0 : i32
      %dma_wait3A_22 = tpu.memref_slice %arg6[%arg0, %mul3A_13, %dma_wait3A_21] : memref<2x10112x64xf32, #tpu.memory_space<hbm>> -> memref<1x632x64xf32, #tpu.memory_space<hbm>>
      %dma_wait3A_23 = tpu.memref_squeeze %dma_wait3A_22 : memref<1x632x64xf32, #tpu.memory_space<hbm>> -> memref<632x64xf32, #tpu.memory_space<hbm>>
      tpu.wait_dma2 semaphore(%run_scoped3A : memref<!tpu.dma_semaphore, #tpu.memory_space<semaphore_mem>>) src(%arg11 : memref<632x64xf32, #tpu.memory_space<vmem>>) dst(%dma_wait3A_23 : memref<632x64xf32, #tpu.memory_space<hbm>>)
      tpu.yield
    }) : () -> ()
    return
  }
}

module attributes {stable_mosaic.version = 14 : i64} {
  func.func @_tc1_body(%arg0: i32, %arg1: memref<1264x128xf32, #tpu.memory_space<vmem>>, %arg2: memref<128x64xf32, #tpu.memory_space<vmem>>, %arg3: memref<128x32xf32, #tpu.memory_space<vmem>>, %arg4: memref<1x32xf32, #tpu.memory_space<vmem>>, %arg5: memref<1264x64xf32, #tpu.memory_space<vmem>>, %arg6: memref<1264x32xf32, #tpu.memory_space<vmem>>) attributes {dimension_semantics = [#tpu.dimension_semantics<arbitrary>], iteration_bounds = array<i64: 8>, scalar_prefetch = 0 : i64, scratch_operands = 0 : i64, tpu.core_type = #tpu.core_type<tc>, window_params = [{transform_indices = @transform_0, window_bounds = array<i64: 1264, 128>}, {pipeline_mode = #tpu.pipeline_mode<synchronous>, transform_indices = @transform_1, window_bounds = array<i64: 128, 64>}, {pipeline_mode = #tpu.pipeline_mode<synchronous>, transform_indices = @transform_2, window_bounds = array<i64: 128, 32>}, {pipeline_mode = #tpu.pipeline_mode<synchronous>, transform_indices = @transform_3, window_bounds = array<i64: 1, 32>}, {transform_indices = @transform_4, window_bounds = array<i64: 1264, 64>}, {transform_indices = @transform_5, window_bounds = array<i64: 1264, 32>}]} {
    %get3A = arith.constant 0 : index
    %get3A_0 = arith.constant 0 : index
    %get3A_1 = vector.load %arg1[%get3A, %get3A_0] : memref<1264x128xf32, #tpu.memory_space<vmem>>, vector<1264x128xf32>
    %get3A_2 = arith.constant 0 : index
    %get3A_3 = arith.constant 0 : index
    %get3A_4 = vector.load %arg2[%get3A_2, %get3A_3] : memref<128x64xf32, #tpu.memory_space<vmem>>, vector<128x64xf32>
    %dot_general3A = arith.constant dense<0.000000e+00> : vector<1264x64xf32>
    %dot_general3A_5 = tpu.matmul %get3A_1, %get3A_4, %dot_general3A {dimension_numbers = #tpu.dot_dimension_numbers<[1], [0], [0], [1], [0, 0, 1, 1], [], []>, transpose_lhs_hint = false} : vector<1264x128xf32>, vector<128x64xf32>, vector<1264x64xf32> -> vector<1264x64xf32>
    %swap3A = arith.constant 0 : index
    %swap3A_6 = arith.constant 0 : index
    %swap3A_7 = vector.load %arg5[%swap3A, %swap3A_6] : memref<1264x64xf32, #tpu.memory_space<vmem>>, vector<1264x64xf32>
    tpu.vector_store %arg5[%swap3A, %swap3A_6], %dot_general3A_5 {strides = array<i32>} : memref<1264x64xf32, #tpu.memory_space<vmem>>, vector<1264x64xf32>,
    %get3A_8 = arith.constant 0 : index
    %get3A_9 = arith.constant 0 : index
    %get3A_10 = vector.load %arg3[%get3A_8, %get3A_9] : memref<128x32xf32, #tpu.memory_space<vmem>>, vector<128x32xf32>
    %dot_general3A_11 = arith.constant dense<0.000000e+00> : vector<1264x32xf32>
    %dot_general3A_12 = tpu.matmul %get3A_1, %get3A_10, %dot_general3A_11 {dimension_numbers = #tpu.dot_dimension_numbers<[1], [0], [0], [1], [0, 0, 1, 1], [], []>, transpose_lhs_hint = false} : vector<1264x128xf32>, vector<128x32xf32>, vector<1264x32xf32> -> vector<1264x32xf32>
    %get3A_13 = arith.constant 0 : index
    %get3A_14 = arith.constant 0 : index
    %get3A_15 = vector.load %arg4[%get3A_13, %get3A_14] : memref<1x32xf32, #tpu.memory_space<vmem>>, vector<1x32xf32>
    %add3A = vector.broadcast %get3A_15 : vector<1x32xf32> to vector<1264x32xf32>
    %add3A_16 = arith.addf %dot_general3A_12, %add3A : vector<1264x32xf32>
    %swap3A_17 = arith.constant 0 : index
    %swap3A_18 = arith.constant 0 : index
    %swap3A_19 = vector.load %arg6[%swap3A_17, %swap3A_18] : memref<1264x32xf32, #tpu.memory_space<vmem>>, vector<1264x32xf32>
    tpu.vector_store %arg6[%swap3A_17, %swap3A_18], %add3A_16 {strides = array<i32>} : memref<1264x32xf32, #tpu.memory_space<vmem>>, vector<1264x32xf32>,
    return
  }
  func.func @transform_0(%arg0: i32) -> (i32, i32) {
    %c0_i32 = arith.constant 0 : i32
    %c0_i32_0 = arith.constant 0 : i32
    return %arg0, %c0_i32 : i32, i32
  }
  func.func @transform_1(%arg0: i32) -> (i32, i32) {
    %c0_i32 = arith.constant 0 : i32
    %c0_i32_0 = arith.constant 0 : i32
    %c0_i32_1 = arith.constant 0 : i32
    return %c0_i32, %c0_i32_0 : i32, i32
  }
  func.func @transform_2(%arg0: i32) -> (i32, i32) {
    %c0_i32 = arith.constant 0 : i32
    %c0_i32_0 = arith.constant 0 : i32
    %c0_i32_1 = arith.constant 0 : i32
    return %c0_i32, %c0_i32_0 : i32, i32
  }
  func.func @transform_3(%arg0: i32) -> (i32, i32) {
    %c0_i32 = arith.constant 0 : i32
    %c0_i32_0 = arith.constant 0 : i32
    %c0_i32_1 = arith.constant 0 : i32
    return %c0_i32, %c0_i32_0 : i32, i32
  }
  func.func @transform_4(%arg0: i32) -> (i32, i32) {
    %c0_i32 = arith.constant 0 : i32
    %c0_i32_0 = arith.constant 0 : i32
    return %arg0, %c0_i32 : i32, i32
  }
  func.func @transform_5(%arg0: i32) -> (i32, i32) {
    %c0_i32 = arith.constant 0 : i32
    %c0_i32_0 = arith.constant 0 : i32
    return %arg0, %c0_i32 : i32, i32
  }
}

module attributes {stable_mosaic.version = 14 : i64} {
  func.func @_tc2_body(%arg0: i32, %arg1: memref<1264x2xf32, #tpu.memory_space<vmem>>, %arg2: memref<1264x64xf32, #tpu.memory_space<vmem>>, %arg3: memref<1264x64xf32, #tpu.memory_space<vmem>>) attributes {dimension_semantics = [#tpu.dimension_semantics<arbitrary>], iteration_bounds = array<i64: 8>, scalar_prefetch = 0 : i64, scratch_operands = 0 : i64, tpu.core_type = #tpu.core_type<tc>, window_params = [{transform_indices = @transform_0, window_bounds = array<i64: 1264, 2>}, {transform_indices = @transform_1, window_bounds = array<i64: 1264, 64>}, {transform_indices = @transform_2, window_bounds = array<i64: 1264, 64>}]} {
    %get3A = arith.constant 0 : index
    %get3A_0 = arith.constant 0 : index
    %get3A_1 = vector.load %arg1[%get3A, %get3A_0] : memref<1264x2xf32, #tpu.memory_space<vmem>>, vector<1264x1xf32>
    %get3A_2 = arith.constant 0 : index
    %get3A_3 = arith.constant 1 : index
    %get3A_4 = vector.load %arg1[%get3A_2, %get3A_3] : memref<1264x2xf32, #tpu.memory_space<vmem>>, vector<1264x1xf32>
    %add3A = arith.addf %get3A_1, %get3A_4 : vector<1264x1xf32>
    %add3A_5 = arith.constant 1.000000e+00 : f32
    %add3A_6 = vector.broadcast %add3A_5 : f32 to vector<1264x1xf32>
    %add3A_7 = arith.addf %add3A, %add3A_6 : vector<1264x1xf32>
    %rsqrt3A = math.rsqrt %add3A_7 : vector<1264x1xf32>
    %get3A_8 = arith.constant 0 : index
    %get3A_9 = arith.constant 0 : index
    %get3A_10 = vector.load %arg2[%get3A_8, %get3A_9] : memref<1264x64xf32, #tpu.memory_space<vmem>>, vector<1264x64xf32>
    %mul3A = vector.broadcast %rsqrt3A : vector<1264x1xf32> to vector<1264x64xf32>
    %mul3A_11 = arith.mulf %get3A_10, %mul3A : vector<1264x64xf32>
    %swap3A = arith.constant 0 : index
    %swap3A_12 = arith.constant 0 : index
    %swap3A_13 = vector.load %arg3[%swap3A, %swap3A_12] : memref<1264x64xf32, #tpu.memory_space<vmem>>, vector<1264x64xf32>
    tpu.vector_store %arg3[%swap3A, %swap3A_12], %mul3A_11 {strides = array<i32>} : memref<1264x64xf32, #tpu.memory_space<vmem>>, vector<1264x64xf32>,
    return
  }
  func.func @transform_0(%arg0: i32) -> (i32, i32) {
    %c0_i32 = arith.constant 0 : i32
    %c0_i32_0 = arith.constant 0 : i32
    return %arg0, %c0_i32 : i32, i32
  }
  func.func @transform_1(%arg0: i32) -> (i32, i32) {
    %c0_i32 = arith.constant 0 : i32
    %c0_i32_0 = arith.constant 0 : i32
    return %arg0, %c0_i32 : i32, i32
  }
  func.func @transform_2(%arg0: i32) -> (i32, i32) {
    %c0_i32 = arith.constant 0 : i32
    %c0_i32_0 = arith.constant 0 : i32
    return %arg0, %c0_i32 : i32, i32
  }
}

module attributes {stable_mosaic.version = 14 : i64} {
  func.func @_tc3_body(%arg0: i32, %arg1: memref<1264x2xf32, #tpu.memory_space<vmem>>, %arg2: memref<2x1264x64xf32, #tpu.memory_space<vmem>>, %arg3: memref<1264x64xf32, #tpu.memory_space<vmem>>, %arg4: memref<1264x32xf32, #tpu.memory_space<vmem>>, %arg5: memref<64x32xf32, #tpu.memory_space<vmem>>, %arg6: memref<1x32xf32, #tpu.memory_space<vmem>>, %arg7: memref<32x7xf32, #tpu.memory_space<vmem>>, %arg8: memref<1x7xf32, #tpu.memory_space<vmem>>, %arg9: memref<1x64xf32, #tpu.memory_space<vmem>>, %arg10: memref<1264x32xf32, #tpu.memory_space<vmem>>, %arg11: memref<1264x7xf32, #tpu.memory_space<vmem>>, %arg12: memref<1264x1xf32, #tpu.memory_space<vmem>>) attributes {dimension_semantics = [#tpu.dimension_semantics<arbitrary>], iteration_bounds = array<i64: 8>, scalar_prefetch = 0 : i64, scratch_operands = 0 : i64, tpu.core_type = #tpu.core_type<tc>, window_params = [{transform_indices = @transform_0, window_bounds = array<i64: 1264, 2>}, {transform_indices = @transform_1, window_bounds = array<i64: 2, 1264, 64>}, {transform_indices = @transform_2, window_bounds = array<i64: 1264, 64>}, {transform_indices = @transform_3, window_bounds = array<i64: 1264, 32>}, {pipeline_mode = #tpu.pipeline_mode<synchronous>, transform_indices = @transform_4, window_bounds = array<i64: 64, 32>}, {pipeline_mode = #tpu.pipeline_mode<synchronous>, transform_indices = @transform_5, window_bounds = array<i64: 1, 32>}, {pipeline_mode = #tpu.pipeline_mode<synchronous>, transform_indices = @transform_6, window_bounds = array<i64: 32, 7>}, {pipeline_mode = #tpu.pipeline_mode<synchronous>, transform_indices = @transform_7, window_bounds = array<i64: 1, 7>}, {pipeline_mode = #tpu.pipeline_mode<synchronous>, transform_indices = @transform_8, window_bounds = array<i64: 1, 64>}, {transform_indices = @transform_9, window_bounds = array<i64: 1264, 32>}, {transform_indices = @transform_10, window_bounds = array<i64: 1264, 7>}, {transform_indices = @transform_11, window_bounds = array<i64: 1264, 1>}]} {
    %get3A = arith.constant 0 : index
    %get3A_0 = arith.constant 0 : index
    %get3A_1 = arith.constant 0 : index
    %get3A_2 = vector.load %arg2[%get3A, %get3A_0, %get3A_1] : memref<2x1264x64xf32, #tpu.memory_space<vmem>>, vector<1x1264x64xf32>
    %get3A_3 = vector.shape_cast %get3A_2 : vector<1x1264x64xf32> to vector<1264x64xf32>
    %get3A_4 = arith.constant 1 : index
    %get3A_5 = arith.constant 0 : index
    %get3A_6 = arith.constant 0 : index
    %get3A_7 = vector.load %arg2[%get3A_4, %get3A_5, %get3A_6] : memref<2x1264x64xf32, #tpu.memory_space<vmem>>, vector<1x1264x64xf32>
    %get3A_8 = vector.shape_cast %get3A_7 : vector<1x1264x64xf32> to vector<1264x64xf32>
    %add3A = arith.addf %get3A_3, %get3A_8 : vector<1264x64xf32>
    %get3A_9 = arith.constant 0 : index
    %get3A_10 = arith.constant 0 : index
    %get3A_11 = vector.load %arg1[%get3A_9, %get3A_10] : memref<1264x2xf32, #tpu.memory_space<vmem>>, vector<1264x1xf32>
    %get3A_12 = arith.constant 0 : index
    %get3A_13 = arith.constant 1 : index
    %get3A_14 = vector.load %arg1[%get3A_12, %get3A_13] : memref<1264x2xf32, #tpu.memory_space<vmem>>, vector<1264x1xf32>
    %add3A_15 = arith.addf %get3A_11, %get3A_14 : vector<1264x1xf32>
    %add3A_16 = arith.constant 1.000000e+00 : f32
    %add3A_17 = vector.broadcast %add3A_16 : f32 to vector<1264x1xf32>
    %add3A_18 = arith.addf %add3A_15, %add3A_17 : vector<1264x1xf32>
    %rsqrt3A = math.rsqrt %add3A_18 : vector<1264x1xf32>
    %mul3A = vector.broadcast %rsqrt3A : vector<1264x1xf32> to vector<1264x64xf32>
    %mul3A_19 = arith.mulf %add3A, %mul3A : vector<1264x64xf32>
    %get3A_20 = arith.constant 0 : index
    %get3A_21 = arith.constant 0 : index
    %get3A_22 = vector.load %arg3[%get3A_20, %get3A_21] : memref<1264x64xf32, #tpu.memory_space<vmem>>, vector<1264x64xf32>
    %mul3A_23 = arith.mulf %rsqrt3A, %rsqrt3A : vector<1264x1xf32>
    %mul3A_24 = vector.broadcast %mul3A_23 : vector<1264x1xf32> to vector<1264x64xf32>
    %mul3A_25 = arith.mulf %get3A_22, %mul3A_24 : vector<1264x64xf32>
    %add3A_26 = arith.addf %mul3A_19, %mul3A_25 : vector<1264x64xf32>
    %get3A_27 = arith.constant 0 : index
    %get3A_28 = arith.constant 0 : index
    %get3A_29 = vector.load %arg9[%get3A_27, %get3A_28] : memref<1x64xf32, #tpu.memory_space<vmem>>, vector<1x64xf32>
    %add3A_30 = vector.broadcast %get3A_29 : vector<1x64xf32> to vector<1264x64xf32>
    %add3A_31 = arith.addf %add3A_26, %add3A_30 : vector<1264x64xf32>
    %max3A = arith.constant 0.000000e+00 : f32
    %max3A_32 = vector.broadcast %max3A : f32 to vector<1264x64xf32>
    %max3A_33 = arith.maximumf %add3A_31, %max3A_32 : vector<1264x64xf32>
    %get3A_34 = arith.constant 0 : index
    %get3A_35 = arith.constant 0 : index
    %get3A_36 = vector.load %arg5[%get3A_34, %get3A_35] : memref<64x32xf32, #tpu.memory_space<vmem>>, vector<64x32xf32>
    %dot_general3A = arith.constant dense<0.000000e+00> : vector<1264x32xf32>
    %dot_general3A_37 = tpu.matmul %max3A_33, %get3A_36, %dot_general3A {dimension_numbers = #tpu.dot_dimension_numbers<[1], [0], [0], [1], [0, 0, 1, 1], [], []>, transpose_lhs_hint = false} : vector<1264x64xf32>, vector<64x32xf32>, vector<1264x32xf32> -> vector<1264x32xf32>
    %get3A_38 = arith.constant 0 : index
    %get3A_39 = arith.constant 0 : index
    %get3A_40 = vector.load %arg6[%get3A_38, %get3A_39] : memref<1x32xf32, #tpu.memory_space<vmem>>, vector<1x32xf32>
    %add3A_41 = vector.broadcast %get3A_40 : vector<1x32xf32> to vector<1264x32xf32>
    %add3A_42 = arith.addf %dot_general3A_37, %add3A_41 : vector<1264x32xf32>
    %get3A_43 = arith.constant 0 : index
    %get3A_44 = arith.constant 0 : index
    %get3A_45 = vector.load %arg7[%get3A_43, %get3A_44] : memref<32x7xf32, #tpu.memory_space<vmem>>, vector<32x7xf32>
    %dot_general3A_46 = arith.constant dense<0.000000e+00> : vector<1264x7xf32>
    %dot_general3A_47 = tpu.matmul %add3A_42, %get3A_45, %dot_general3A_46 {dimension_numbers = #tpu.dot_dimension_numbers<[1], [0], [0], [1], [0, 0, 1, 1], [], []>, transpose_lhs_hint = false} : vector<1264x32xf32>, vector<32x7xf32>, vector<1264x7xf32> -> vector<1264x7xf32>
    %get3A_48 = arith.constant 0 : index
    %get3A_49 = arith.constant 0 : index
    %get3A_50 = vector.load %arg8[%get3A_48, %get3A_49] : memref<1x7xf32, #tpu.memory_space<vmem>>, vector<1x7xf32>
    %add3A_51 = vector.broadcast %get3A_50 : vector<1x7xf32> to vector<1264x7xf32>
    %add3A_52 = arith.addf %dot_general3A_47, %add3A_51 : vector<1264x7xf32>
    %get3A_53 = arith.constant 0 : index
    %get3A_54 = arith.constant 0 : index
    %get3A_55 = vector.load %arg4[%get3A_53, %get3A_54] : memref<1264x32xf32, #tpu.memory_space<vmem>>, vector<1264x32xf32>
    %sub3A = arith.subf %add3A_42, %get3A_55 : vector<1264x32xf32>
    %mul3A_56 = arith.mulf %sub3A, %sub3A : vector<1264x32xf32>
    %reduce_sum3A = arith.constant dense<0.000000e+00> : vector<1264xf32>
    %reduce_sum3A_57 = vector.multi_reduction <add>, %mul3A_56, %reduce_sum3A [1] : vector<1264x32xf32> to vector<1264xf32>
    %broadcast_in_dim3A = vector.shape_cast %reduce_sum3A_57 : vector<1264xf32> to vector<1264x1xf32>
    %sqrt3A = math.sqrt %broadcast_in_dim3A : vector<1264x1xf32>
    %swap3A = arith.constant 0 : index
    %swap3A_58 = arith.constant 0 : index
    %swap3A_59 = vector.load %arg12[%swap3A, %swap3A_58] : memref<1264x1xf32, #tpu.memory_space<vmem>>, vector<1264x1xf32>
    tpu.vector_store %arg12[%swap3A, %swap3A_58], %sqrt3A {strides = array<i32>} : memref<1264x1xf32, #tpu.memory_space<vmem>>, vector<1264x1xf32>,
    %swap3A_60 = arith.constant 0 : index
    %swap3A_61 = arith.constant 0 : index
    %swap3A_62 = vector.load %arg10[%swap3A_60, %swap3A_61] : memref<1264x32xf32, #tpu.memory_space<vmem>>, vector<1264x32xf32>
    tpu.vector_store %arg10[%swap3A_60, %swap3A_61], %add3A_42 {strides = array<i32>} : memref<1264x32xf32, #tpu.memory_space<vmem>>, vector<1264x32xf32>,
    %swap3A_63 = arith.constant 0 : index
    %swap3A_64 = arith.constant 0 : index
    %swap3A_65 = vector.load %arg11[%swap3A_63, %swap3A_64] : memref<1264x7xf32, #tpu.memory_space<vmem>>, vector<1264x7xf32>
    tpu.vector_store %arg11[%swap3A_63, %swap3A_64], %add3A_52 {strides = array<i32>} : memref<1264x7xf32, #tpu.memory_space<vmem>>, vector<1264x7xf32>,
    return
  }
  func.func @transform_0(%arg0: i32) -> (i32, i32) {
    %c0_i32 = arith.constant 0 : i32
    %c0_i32_0 = arith.constant 0 : i32
    return %arg0, %c0_i32 : i32, i32
  }
  func.func @transform_1(%arg0: i32) -> (i32, i32, i32) {
    %c0_i32 = arith.constant 0 : i32
    %c0_i32_0 = arith.constant 0 : i32
    %c0_i32_1 = arith.constant 0 : i32
    return %c0_i32, %arg0, %c0_i32_0 : i32, i32, i32
  }
  func.func @transform_2(%arg0: i32) -> (i32, i32) {
    %c0_i32 = arith.constant 0 : i32
    %c0_i32_0 = arith.constant 0 : i32
    return %arg0, %c0_i32 : i32, i32
  }
  func.func @transform_3(%arg0: i32) -> (i32, i32) {
    %c0_i32 = arith.constant 0 : i32
    %c0_i32_0 = arith.constant 0 : i32
    return %arg0, %c0_i32 : i32, i32
  }
  func.func @transform_4(%arg0: i32) -> (i32, i32) {
    %c0_i32 = arith.constant 0 : i32
    %c0_i32_0 = arith.constant 0 : i32
    %c0_i32_1 = arith.constant 0 : i32
    return %c0_i32, %c0_i32_0 : i32, i32
  }
  func.func @transform_5(%arg0: i32) -> (i32, i32) {
    %c0_i32 = arith.constant 0 : i32
    %c0_i32_0 = arith.constant 0 : i32
    %c0_i32_1 = arith.constant 0 : i32
    return %c0_i32, %c0_i32_0 : i32, i32
  }
  func.func @transform_6(%arg0: i32) -> (i32, i32) {
    %c0_i32 = arith.constant 0 : i32
    %c0_i32_0 = arith.constant 0 : i32
    %c0_i32_1 = arith.constant 0 : i32
    return %c0_i32, %c0_i32_0 : i32, i32
  }
  func.func @transform_7(%arg0: i32) -> (i32, i32) {
    %c0_i32 = arith.constant 0 : i32
    %c0_i32_0 = arith.constant 0 : i32
    %c0_i32_1 = arith.constant 0 : i32
    return %c0_i32, %c0_i32_0 : i32, i32
  }
  func.func @transform_8(%arg0: i32) -> (i32, i32) {
    %c0_i32 = arith.constant 0 : i32
    %c0_i32_0 = arith.constant 0 : i32
    %c0_i32_1 = arith.constant 0 : i32
    return %c0_i32, %c0_i32_0 : i32, i32
  }
  func.func @transform_9(%arg0: i32) -> (i32, i32) {
    %c0_i32 = arith.constant 0 : i32
    %c0_i32_0 = arith.constant 0 : i32
    return %arg0, %c0_i32 : i32, i32
  }
  func.func @transform_10(%arg0: i32) -> (i32, i32) {
    %c0_i32 = arith.constant 0 : i32
    %c0_i32_0 = arith.constant 0 : i32
    return %arg0, %c0_i32 : i32, i32
  }
  func.func @transform_11(%arg0: i32) -> (i32, i32) {
    %c0_i32 = arith.constant 0 : i32
    %c0_i32_0 = arith.constant 0 : i32
    return %arg0, %c0_i32 : i32, i32
  }
}

</mosaic_0001>

<sc_bundles>
// kernel: kernel.10.cloned.1.call-start
scs
__scs_entry_jumppad:
0x0: {  	(pc) =	sbr.rel $0x88, $3  }
0x1: {  	(tag) =	ssettag $0x0;
	lr =	simm.s32 $0x1  }
0x2: {  	[smem:$0x3F97] =	sst lr;
	_ =	strace $0xD0000000  }
0x3: {  	_ = 	snop  }
0x4: {  	_ = 	snop  }
0x5: {  	_ = 	snop  }
0x6: {  	_ = 	snop  }
0x7: {  	_ = 	snop  }
__scs_overlays_trampoline_lowered:
0x8: {  	[smem:$0x3FA6] =	sst s0  }
0x9: {  	[smem:$0x3FA7] =	sst s1  }
0xa: {  	[smem:$0x3FA8] =	sst s2  }
0xb: {  	[smem:$0x3FA9] =	sst s3  }
0xc: {  	[smem:$0x3FAA] =	sst s4  }
0xd: {  	[smem:$0x3FAB] =	sst s5  }
0xe: {  	[smem:$0x3FAC] =	sst s6  }
0xf: {  	[smem:$0x3FAD] =	sst s7  }
0x10: {  	[smem:$0x3FAE] =	sst s8  }
0x11: {  	[smem:$0x3FAF] =	sst s9;
	s0 =	simm.s32 @!p0 $0x0  }
0x12: {  	s1 =	sld [smem:$0x3F95];
	s0 =	simm.s32 @p0 $0x1  }
0x13: {  	[smem:$0x3FB0] =	sst s0;
	s0 =	simm.s32 @!p1 $0x0  }
0x14: {  	s2 =	sld [smem:$0x3F94];
	s0 =	simm.s32 @p1 $0x1  }
0x15: {  	[smem:$0x3FB1] =	sst s0;
	s0 =	simm.s32 @!p2 $0x0  }
0x16: {  	s3 =	sld [smem:$0x3FDB];
	s0 =	simm.s32 @p2 $0x1  }
0x17: {  	s4 =	simm.s32 $0x1BF5;
	[smem:$0x3FB3] =	sst s0  }
0x18: {  	s0 =	sld [smem:$0x3F96];
	_ =	swait.ge [sflag:s4], $0x0  }
0x19: {  	s7 =	sld [smem:$0x3F97]  }
0x1a: {  	s8 =	sadd.s32 $0xFFFFE003, lr  }
0x1b: {  	s9 =	sadd.s32 $0xFFFFFEF7, lr;
	s5 =	simm.s32 $0xFFFFFFFF;
	p2 =	slt.u32 s8, $0xFFFFF086  }
0x1c: {  	p1 =	slt.u32 s9, $0xF7A;
	s5 =	simm.s32 @!p2 $0x0  }
0x1d: {  	s5 =	simm.s32 @p1 $0x1;
	p0 =	seq.s32 s7, s2  }
0x1e: {  	s7 =	smul.u32 @!p0 $0xF7A, s2;
	p2 =	seq.s32 @!p0 s5, $0x0  }
0x1f: {  	s9 =	smul.u32 $0xF7A, s1;
	s8 =	simm.s32 @!p0 $0x1BF5;
	p2 =	por !p2, p0  }
0x20: {  	[sflag:s8] =	ssyncset.s32 @!p0 $0xFFFFF086;
	s6 =	sadd.s32 @!p0 s3, s7;
	s7 =	simm.s32 @!p0 $0x108  }
0x21: {  	s3 =	sadd.s32 s3, s9;
	s6 =	sadd.s32 @!p0 $0x88, s6;
	s7 =	simm.s32 @p2 $0x1082  }
0x22: {  	[simem:s7], [sflag:s8] =	dma.local @!p0 [hbm:s6], $0xF7A  }
0x23: {  	s9 =	sor.u32 $0xD0000000, s2;
	s6 =	simm.s32 $0x108;
	_ =	swait.ge @!p0 [sflag:s8], $0x0  }
0x24: {  	s3 =	sadd.s32 $0x88, s3;
	s6 =	simm.s32 @!p1 $0x1082;
	[sflag:s4] =	ssyncset.s32 $0xFFFFF086  }
0x25: {  	[simem:s6], [sflag:s4] =	dma.local [hbm:s3], $0xF7A  }
0x26: {  	[smem:$0x3F97] =	sst s1;
	(tag) =	ssettag s2;
	_ =	strace s9  }
0x27: {  	s1 =	sld [smem:$0x3FA7]  }
0x28: {  	s2 =	sld [smem:$0x3FA8]  }
0x29: {  	s4 =	sld [smem:$0x3FAA]  }
0x2a: {  	p0 =	seq.s32 s5, $0x0;
	s5 =	sld [smem:$0x3FAB]  }
0x2b: {  	s6 =	sld [smem:$0x3FAC]  }
0x2c: {  	s7 =	sld [smem:$0x3FAD]  }
0x2d: {  	s3 =	simm.s32 $0x108;
	s8 =	sld [smem:$0x3FAE]  }
0x2e: {  	s3 =	simm.s32 @!p0 $0x1082;
	s9 =	sld [smem:$0x3FAF]  }
0x2f: {  	lr =	sadd.s32 s0, s3;
	s0 =	sld [smem:$0x3FA6]  }
0x30: {  	s3 =	sld [smem:$0x3FA9]  }
0x31: {  	[smem:$0x3FB2] =	sst s10  }
0x32: {  	s10 =	sld [smem:$0x3FB0];
	_ =	sdelay $0x3  }
0x33: {  	p0 =	seq.s32 s10, $0x1;
	s10 =	sld [smem:$0x3FB2];
	_ =	sdelay $0x3  }
0x34: {  	[smem:$0x3FB2] =	sst s10  }
0x35: {  	s10 =	sld [smem:$0x3FB1];
	_ =	sdelay $0x3  }
0x36: {  	p1 =	seq.s32 s10, $0x1;
	s10 =	sld [smem:$0x3FB2];
	_ =	sdelay $0x3  }
0x37: {  	[smem:$0x3FB2] =	sst s10  }
0x38: {  	s10 =	sld [smem:$0x3FB3]  }
0x39: {  	_ = 	snop;
	(pc) =	sbr.ind lr, $3  }
0x3a: {  	_ = 	snop  }
0x3b: {  	_ = 	snop  }
0x3c: {  	p2 =	seq.s32 s10, $0x1;
	s10 =	sld [smem:$0x3FB2]  }
0x3d: {  	_ =	shalt  }
0x3e: {  	_ =	shalt  }
0x3f: {  	_ =	shalt  }
0x40: {  	_ =	shalt  }
0x41: {  	_ =	shalt  }
0x42: {  	_ =	shalt  }
0x43: {  	_ =	shalt  }
0x44: {  	_ =	shalt  }
0x45: {  	_ =	shalt  }
0x46: {  	_ =	shalt  }
0x47: {  	_ =	shalt  }
0x48: {  	_ =	shalt  }
0x49: {  	_ =	shalt  }
0x4a: {  	_ =	shalt  }
0x4b: {  	_ =	shalt  }
0x4c: {  	_ =	shalt  }
0x4d: {  	_ =	shalt  }
0x4e: {  	_ =	shalt  }
0x4f: {  	_ =	shalt  }
0x50: {  	_ =	shalt  }
0x51: {  	_ =	shalt  }
0x52: {  	_ =	shalt  }
0x53: {  	_ =	shalt  }
0x54: {  	_ =	shalt  }
0x55: {  	_ =	shalt  }
0x56: {  	_ =	shalt  }
0x57: {  	_ =	shalt  }
0x58: {  	_ =	shalt  }
0x59: {  	_ =	shalt  }
0x5a: {  	_ =	shalt  }
0x5b: {  	_ =	shalt  }
0x5c: {  	_ =	shalt  }
0x5d: {  	_ =	shalt  }
0x5e: {  	_ =	shalt  }
0x5f: {  	_ =	shalt  }
0x60: {  	_ =	shalt  }
0x61: {  	_ =	shalt  }
0x62: {  	_ =	shalt  }
0x63: {  	_ =	shalt  }
0x64: {  	_ =	shalt  }
0x65: {  	_ =	shalt  }
0x66: {  	_ =	shalt  }
0x67: {  	_ =	shalt  }
0x68: {  	_ =	shalt  }
0x69: {  	_ =	shalt  }
0x6a: {  	_ =	shalt  }
0x6b: {  	_ =	shalt  }
0x6c: {  	_ =	shalt  }
0x6d: {  	_ =	shalt  }
0x6e: {  	_ =	shalt  }
0x6f: {  	_ =	shalt  }
0x70: {  	_ =	shalt  }
0x71: {  	_ =	shalt  }
0x72: {  	_ =	shalt  }
0x73: {  	_ =	shalt  }
0x74: {  	_ =	shalt  }
0x75: {  	_ =	shalt  }
0x76: {  	_ =	shalt  }
0x77: {  	_ =	shalt  }
0x78: {  	_ =	shalt  }
0x79: {  	_ =	shalt  }
0x7a: {  	_ =	shalt  }
0x7b: {  	_ =	shalt  }
0x7c: {  	_ =	shalt  }
0x7d: {  	_ =	shalt  }
0x7e: {  	_ =	shalt  }
0x7f: {  	_ =	shalt  }
0x80: {  	_ =	shalt  }
0x81: {  	_ =	shalt  }
0x82: {  	_ =	shalt  }
0x83: {  	_ =	shalt  }
0x84: {  	_ =	shalt  }
0x85: {  	_ =	shalt  }
0x86: {  	_ =	shalt  }
0x87: {  	_ =	shalt  }
.Lfunc_end0:
.L_simem_size_0:
called_computation.1_lowered:
.L_overlay_start_0:
0x88: {  	s2 =	sld [smem:$0x3FD9]  }
0x89: {  	s3 =	sld [smem:$0x3FFE];
	_ =	sdelay $0x1  }
0x8a: {  	s1 =	srdreg.scid  }
0x8b: {  	s0 =	sand.u32 $0x1, s1  }
0x8c: {  	s14 =	sshll.u32 s0, $0xA;
	s2 =	sadd.s32 s3, s2  }
0x8d: {  	s2 =	sadd.s32 s2, s14  }
0x8e: {  	[smem:$0x3FBE] =	sst s2  }
0x8f: {  	_ = 	snop  }
0x90: {  	s2 =	sld [smem:$0x3FD0];
	_ =	sdelay $0x2  }
0x91: {  	s15 =	simm.s32 $0xA;
	s4 =	simm.s32 $0x10  }
0x92: {  	[smem:s4], [sflag:s15] =	dma.local [hbm:s2], $0x1  }
0x93: {  	_ =	swait.eq [sflag:s15], $0x1  }
0x94: {  	[sflag:s15] =	ssyncset.done $0x0  }
0x95: {  	[sflag:s15] =	ssyncadd.s32 $0xFFFFFFFF  }
0x96: {  	s16 =	sld [smem:$0x12];
	(tm) =	ssettm $0x1  }
0x97: {  	s17 =	sld [smem:$0x3FFB];
	_ =	sdelay $0x3  }
0x98: {  	_ =	strace s17  }
0x99: {  	s3 =	sld [smem:$0x3FFC];
	_ =	sdelay $0x3  }
0x9a: {  	_ =	strace s3  }
0x9b: {  	s3 =	sld [smem:$0x3FFD];
	_ =	sdelay $0x3  }
0x9c: {  	_ =	strace s3  }
0x9d: {  	_ =	strace $0x8FFFFFFF  }
0x9e: {  	s18 =	sld [smem:$0x3FDB];
	_ =	sdelay $0x1  }
0x9f: {  	s19 =	simm.s32 $_scs_section_size  }
0xa0: {  	s5 =	simm.s32 $_size__tile_overlayer_lowered;
	s6 =	simm.s32 $_tile_overlayer_lowered  }
0xa1: {  	s22 =	simm.s32 $0x1BFF;
	s21 =	sshll.u32 s6, $0x1;
	s3 =	sadd.s32 s19, s18  }
0xa2: {  	s7 =	simm.s32 $0x0;
	s20 =	sshll.u32 s5, $0x1;
	s5 =	sadd.s32 s21, s3  }
0xa3: {  	[timem:s7], [sflag:s22] =	dma.local [hbm:s5], s20  }
0xa4: {  	_ =	swait.ge [sflag:s22], s20  }
0xa5: {  	s4 =	ssub.s32 $0x0, s20;
	[sflag:s22] =	ssyncset.done $0x0  }
0xa6: {  	[sflag:s22] =	ssyncadd.s32 s4;
	_ =	sdelay $0x1  }
0xa7: {  	s23 =	simm.s32 $0x1B8B  }
0xa8: {  	_ =	swait.ge [sflag:s23], $0x1  }
0xa9: {  	[sflag:s23] =	ssyncset.done $0x0  }
0xaa: {  	s25 =	simm.s32 $0x1B8E;
	s24 =	sld [smem:$0x3FFE];
	[sflag:s23] =	ssyncadd.s32 $0xFFFFFFFF  }
0xab: {  	s26 =	simm.s32 $execute0_lowered;
	[smem:$0x3FD2] =	sst s25  }
0xac: {  	s5 =	sshll.u32 s26, $0x1;
	_ =	strace $0x80000049;
	[dreg:$0x1] =	wrdreg $0xFFFFFFFF  }
0xad: {  	s28 =	simm.s32 $_size_execute0_lowered;
	s3 =	sadd.s32 s3, s5;
	[dreg:$0x0] =	wrdreg $0x0  }
0xae: {  	s5 =	sshll.u32 s28, $0x1;
	[dreg:$0x2] =	wrdreg s3  }
0xaf: {  	[dreg:$0x3] =	wrdreg s5  }
0xb0: {  	[dreg:$0x4] =	wrdreg $0xC0  }
0xb1: {  	_ =	task [dreg:s7], $0x5FFFF  }
0xb2: {  	[dreg:$0x1] =	wrdreg $0xFFFFFFFF  }
0xb3: {  	[dreg:$0x0] =	wrdreg $0x60  }
0xb4: {  	[dreg:$0x2] =	wrdreg s24  }
0xb5: {  	[dreg:$0x3] =	wrdreg s16  }
0xb6: {  	[dreg:$0x4] =	wrdreg $0x0  }
0xb7: {  	[dreg:$0x5] =	wrdreg $0x9  }
0xb8: {  	_ =	task.clear_ibuf [dreg:s7], $0x6FFFF;
	_ =	strace $0x90000049  }
0xb9: {  	s29 =	simm.s32 $0x9;
	_ =	strace $0x8000004B  }
0xba: {  	_ =	swait.ge [sflag:s29], $0x1  }
0xbb: {  	[sflag:s29] =	ssyncadd.s32 $0xFFFFFFFF  }
0xbc: {  	_ =	strace $0x9000004B  }
0xbd: {  	_ =	sfence  }
0xbe: {  	s30 =	sld [smem:$0x0];
	_ =	sdelay $0x2  }
0xbf: {  	s31 =	sshll.u32 s1, $0xD;
	s1 =	sshrl.u32 s1, $0x2  }
0xc0: {  	s3 =	sand.u32 $0x4000, s31;
	s1 =	sadd.s32 s1, s30  }
0xc1: {  	s0 =	sor.u32 s3, s0;
	s1 =	sshll.u32 s1, $0x11  }
0xc2: {  	s0 =	sor.u32 s1, s0  }
0xc3: {  	s0 =	sadd.s32 $0x8F2B, s0  }
0xc4: {  	[sflag:s0] =	ssyncadd.remote.s32 $0x1  }
0xc5: {  	_ =	sfence.sel $0xFFFF  }
0xc6: {  	[dreg:$0x0] =	wrdreg $0xFFFFFFFF;
	(pc) =	sbr.abs _section_cstart, $3  }
0xc7: {  	[dreg:$0x1] =	wrdreg $0xFFFFFFFF  }
0xc8: {  	_ =	task.clear_ibuf [dreg:s7], $0x2FFFF;
	_ =	strace $0x9FFFFFFF  }
0xc9: {  	(tm) =	ssettm $0x7FFFFFFF  }
tec
execute0_lowered:
.L_overlay_start_1:
0x0: {  	(tag) =	ssettag $0x1  }
0x1: {  	s5 =	rddreg [dreg:$0x0]  }
0x2: {  	s1 =	srdreg.scid;
	s8 =	rddreg [dreg:$0x1]  }
0x3: {  	s0 =	stileid.u32;
	s2 =	rddreg [dreg:$0x2];
	s3 =	simm.s32 $0x0  }
0x4: {  	s14 =	simm.s32 $0xC580;
	s15 =	simm.s32 $0x80;
	s16 =	simm.s32 $0xED00  }
0x5: {  	s17 =	simm.s32 $0x1;
	s18 =	simm.s32 $0x0;
	s6 =	sand.u32 $0x1, s1  }
0x6: {  	s30 =	sshll.u32 s0, $0x1;
	s7 =	smul.u32 $0x9E00, s0;
	[smem:$0x7FF] =	sst s3  }
0x7: {  	s4 =	sadd.s32 $0x5A200, s5;
	s1 =	sor.u32 s6, s30;
	s10 =	smul.u32 $0x9E000, s6  }
0x8: {  	s6 =	ssub.s32 $0x2, s6;
	s9 =	smul.u32 $0x4F0, s1;
	s1 =	rddreg [dreg:$0x3]  }
0x9: {  	_ =	strace $0x8000004A;
	s12 =	sshrl.u32 s7, $0x3;
	s31 =	sshrl.u32 s6, $0x1  }
0xa: {  	s10 =	sadd.s32 s7, s10;
	s12 =	sadd.s32 s12, s5;
	s13 =	ssub.s32 s6, s31  }
0xb: {  	s6 =	sadd.s32 s7, s2;
	s11 =	sadd.s32 s9, s5;
	s10 =	sshrl.u32 s10, $0x3  }
0xc: {  	s8 =	sadd.s32 s8, s9;
	s10 =	sadd.s32 s10, s5;
	s5 =	sadd.s32 $0x6DE00, s12  }
0xd: {  	s7 =	sadd.s32 $0x1400, s11;
	s11 =	simm.s32 $0x10D00;
	s12 =	simm.s32 $0x2  }
0xe: {  	s9 =	sadd.s32 $0x81A00, s10;
	s10 =	smax.u32 s13, $0x1;
	s13 =	simm.s32 $0x9E00  }
.LBB2_1:
0xf: {  	[tilespmem:s11], [sflag:$0x2] =	stream.linear.gather [hbm4b:s5+s3], $0x9E00, $0x38;
	[tilespmem:$0x1AB00] =	vst v63  }
0x10: {  	_ =	swait.ge [sflag:s12], $0x9E00  }
0x11: {  	[sflag:s12] =	ssyncset.done $0x0  }
0x12: {  	[sflag:s12] =	ssyncadd.s32 $0xFFFF6200  }
0x13: {  	[spmem:s6] =	stream.linear.scatter [tilespmem:s11], [sflag:$0x2], $0x9E00, $0x38;
	[tilespmem:$0x1AB00] =	vst v63  }
0x14: {  	_ =	swait.ge [sflag:s12], $0x9E00  }
0x15: {  	[sflag:s12] =	ssyncset.done $0x0  }
0x16: {  	[sflag:s12] =	ssyncadd.s32 $0xFFFF6200  }
0x17: {  	[tilespmem:s13], [sflag:$0x2] =	stream.linear.gather [hbm4b:s7+s3], $0x2780, $0x38;
	[tilespmem:$0x1AB00] =	vst v63  }
0x18: {  	_ =	swait.ge [sflag:s12], $0x2780  }
0x19: {  	[sflag:s12] =	ssyncset.done $0x0  }
0x1a: {  	[sflag:s12] =	ssyncadd.s32 $0xFFFFD880  }
0x1b: {  	[tilespmem:s14], [sflag:$0x2] =	stream.linear.gather [hbm4b:s8+s3], $0x2780, $0x38;
	[tilespmem:$0x1AB00] =	vst v63  }
0x1c: {  	_ =	swait.ge [sflag:s12], $0x2780  }
0x1d: {  	[sflag:s12] =	ssyncset.done $0x0  }
0x1e: {  	[sflag:s12] =	ssyncadd.s32 $0xFFFFD880  }
0x1f: {  	s19 =	simm.s32 $0x9E00;
	[bflag:$0x0] =	sbarrier.arrive $0xFFFF  }
0x20: {  	[tilespmem:s16], [sflag:$0x1] =	stream.indirect.gather [hbm4b:s4+s15], $0x40, s19, s15, $0xb8;
	[tilespmem:$0x1AB00] =	vst v63  }
0x21: {  	_ =	swait.ge [sflag:s17], $0x2000  }
0x22: {  	[sflag:s17] =	ssyncset.done $0x0  }
0x23: {  	s31 =	simm.s32 $0xC580;
	[sflag:s17] =	ssyncadd.s32 $0xFFFFE000  }
0x24: {  	[spmem:s2] =	stream.indirect.scatter.add.f32 [tilespmem:s16], [sflag:$0x2], $0x40, s31, s15, $0xb8;
	[tilespmem:$0x1AB00] =	vst v63  }
0x25: {  	_ =	swait.ge [sflag:s12], $0x2000  }
0x26: {  	s20 =	simm.s32 $0x400;
	s19 =	simm.s32 $0x80;
	[sflag:s12] =	ssyncset.done $0x0  }
.LBB2_2:
0x27: {  	s21 =	sadd.s32 $0x9E00, s19  }
0x28: {  	[sflag:s12] =	ssyncadd.s32 $0xFFFFE000;
	s22 =	smov.u32 s20;
	s23 =	sadd.s32 $0x200, s20  }
0x29: {  	[tilespmem:s16], [sflag:$0x1] =	stream.indirect.gather [hbm4b:s4+s15], $0x40, s21, s15, $0xb8;
	[tilespmem:$0x1AB00] =	vst v63  }
0x2a: {  	p0 =	sne.s32 s20, $0x9C00;
	_ =	swait.ge [sflag:s17], $0x2000  }
.Ltmp0:
0x2b: {  	[sflag:s17] =	ssyncset.done $0x0;
	(pc) =	sbr.rel @p0 .LBB2_2-.Ltmp0, $4  }
0x2c: {  	s19 =	sadd.s32 $0xC580, s19;
	[sflag:s17] =	ssyncadd.s32 $0xFFFFE000  }
0x2d: {  	[spmem:s2] =	stream.indirect.scatter.add.f32 [tilespmem:s16], [sflag:$0x2], $0x40, s19, s15, $0xb8;
	[tilespmem:$0x1AB00] =	vst v63  }
0x2e: {  	_ =	swait.ge [sflag:s12], $0x2000  }
0x2f: {  	s20 =	smov.u32 s23;
	s19 =	sshra.s32 s22, $0x2;
	[sflag:s12] =	ssyncset.done $0x0  }
0x30: {  	s20 =	sadd.s32 $0x9E00, s19;
	[sflag:s12] =	ssyncadd.s32 $0xFFFFE000  }
0x31: {  	[tilespmem:s16], [sflag:$0x1] =	stream.indirect.gather [hbm4b:s4+s15], $0x40, s20, s15, $0xb8;
	[tilespmem:$0x1AB00] =	vst v63  }
0x32: {  	_ =	swait.ge [sflag:s17], $0x2000  }
0x33: {  	[sflag:s17] =	ssyncset.done $0x0  }
0x34: {  	s31 =	sadd.s32 $0xC580, s19;
	[sflag:s17] =	ssyncadd.s32 $0xFFFFE000  }
0x35: {  	[spmem:s2] =	stream.indirect.scatter.add.f32 [tilespmem:s16], [sflag:$0x2], $0x40, s31, s15, $0xb8;
	[tilespmem:$0x1AB00] =	vst v63  }
0x36: {  	_ =	swait.ge [sflag:s12], $0x2000  }
0x37: {  	[sflag:s12] =	ssyncset.done $0x0  }
0x38: {  	[sflag:s12] =	ssyncadd.s32 $0xFFFFE000  }
0x39: {  	[bflag:$0x0] =	sbarrier.arrive $0xFFFF  }
0x3a: {  	[tilespmem:s11], [sflag:$0x2] =	stream.linear.gather [spmem:s6], $0x9E00, $0x38;
	[tilespmem:$0x1AB00] =	vst v63  }
0x3b: {  	s18 =	sadd.s32 $0x1, s18;
	_ =	swait.ge [sflag:s12], $0x9E00  }
0x3c: {  	p0 =	sne.s32 s18, s10;
	[sflag:s12] =	ssyncset.done $0x0  }
.Ltmp1:
0x3d: {  	[sflag:s12] =	ssyncadd.s32 $0xFFFF6200;
	(pc) =	sbr.rel @p0 .LBB2_1-.Ltmp1, $4  }
0x3e: {  	[hbm4b:s9+s3] =	stream.linear.scatter [tilespmem:s11], [sflag:$0x2], $0x9E00, $0x38;
	[tilespmem:$0x1AB00] =	vst v63  }
0x3f: {  	_ =	swait.ge [sflag:s12], $0x9E00  }
0x40: {  	[sflag:s12] =	ssyncset.done $0x0  }
0x41: {  	[sflag:s12] =	ssyncadd.s32 $0xFFFF6200  }
0x42: {  	_ =	sfence.sel $0x180000  }
0x43: {  	[bflag:$0x0] =	sbarrier.arrive $0xFFFF  }
0x44: {  	p0 =	sne.s32 s0, $0x0;
	_ =	strace $0x9000004A  }
0x45: {  	s0 =	sadd.s32 @!p0 $0x100000, s1;
	[bflag:$0x2] =	sbarrier.arrive $0xFFFF  }
0x46: {  	[sflag:s0] =	ssyncadd.tile.s32 @!p0 $0x1;
	_ =	shalt  }
.Lfunc_end2:
_tile_overlayer_lowered:
.L_overlay_start_2:
0x47: {  	(tag) =	ssettag $0x2  }
0x48: {  	s0 =	rddreg [dreg:$0x0];
	s2 =	stileid.u32  }
0x49: {  	s1 =	rddreg [dreg:$0x1];
	p0 =	sne.s32 s2, $0x0  }
0x4a: {  	s3 =	rddreg [dreg:$0x2];
	[bflag:$0x3] =	sbarrier.arrive $0xFFFF;
	s2 =	simm.s32 @!p0 $0x1C02  }
0x4b: {  	[timem:s3], [sflag:s2] =	dma.local @!p0 [hbm:s0], s1  }
0x4c: {  	s0 =	simm.s32 @!p0 $0x2  }
0x4d: {  	_ =	swait.ge @!p0 [sflag:s0], s1  }
0x4e: {  	s1 =	ssub.s32 @!p0 $0x0, s1;
	[sflag:s0] =	ssyncset.done @!p0 $0x0  }
0x4f: {  	[sflag:s0] =	ssyncadd.s32 @!p0 s1  }
0x50: {  	[bflag:$0x3] =	sbarrier.arrive $0xFFFF  }
0x51: {  	_ =	shalt  }

// kernel: kernel.7.cloned.1.call-start
scs
__scs_entry_jumppad:
0x0: {  	(pc) =	sbr.rel $0x88, $3  }
0x1: {  	(tag) =	ssettag $0x0;
	lr =	simm.s32 $0x1  }
0x2: {  	[smem:$0x3F97] =	sst lr;
	_ =	strace $0xD0000000  }
0x3: {  	_ = 	snop  }
0x4: {  	_ = 	snop  }
0x5: {  	_ = 	snop  }
0x6: {  	_ = 	snop  }
0x7: {  	_ = 	snop  }
__scs_overlays_trampoline_lowered:
0x8: {  	[smem:$0x3FA6] =	sst s0  }
0x9: {  	[smem:$0x3FA7] =	sst s1  }
0xa: {  	[smem:$0x3FA8] =	sst s2  }
0xb: {  	[smem:$0x3FA9] =	sst s3  }
0xc: {  	[smem:$0x3FAA] =	sst s4  }
0xd: {  	[smem:$0x3FAB] =	sst s5  }
0xe: {  	[smem:$0x3FAC] =	sst s6  }
0xf: {  	[smem:$0x3FAD] =	sst s7  }
0x10: {  	[smem:$0x3FAE] =	sst s8  }
0x11: {  	[smem:$0x3FAF] =	sst s9;
	s0 =	simm.s32 @!p0 $0x0  }
0x12: {  	s1 =	sld [smem:$0x3F95];
	s0 =	simm.s32 @p0 $0x1  }
0x13: {  	[smem:$0x3FB0] =	sst s0;
	s0 =	simm.s32 @!p1 $0x0  }
0x14: {  	s2 =	sld [smem:$0x3F94];
	s0 =	simm.s32 @p1 $0x1  }
0x15: {  	[smem:$0x3FB1] =	sst s0;
	s0 =	simm.s32 @!p2 $0x0  }
0x16: {  	s3 =	sld [smem:$0x3FDB];
	s0 =	simm.s32 @p2 $0x1  }
0x17: {  	s4 =	simm.s32 $0x1BF5;
	[smem:$0x3FB3] =	sst s0  }
0x18: {  	s0 =	sld [smem:$0x3F96];
	_ =	swait.ge [sflag:s4], $0x0  }
0x19: {  	s7 =	sld [smem:$0x3F97]  }
0x1a: {  	s8 =	sadd.s32 $0xFFFFE003, lr  }
0x1b: {  	s9 =	sadd.s32 $0xFFFFFEF7, lr;
	s5 =	simm.s32 $0xFFFFFFFF;
	p2 =	slt.u32 s8, $0xFFFFF086  }
0x1c: {  	p1 =	slt.u32 s9, $0xF7A;
	s5 =	simm.s32 @!p2 $0x0  }
0x1d: {  	s5 =	simm.s32 @p1 $0x1;
	p0 =	seq.s32 s7, s2  }
0x1e: {  	s7 =	smul.u32 @!p0 $0xF7A, s2;
	p2 =	seq.s32 @!p0 s5, $0x0  }
0x1f: {  	s9 =	smul.u32 $0xF7A, s1;
	s8 =	simm.s32 @!p0 $0x1BF5;
	p2 =	por !p2, p0  }
0x20: {  	[sflag:s8] =	ssyncset.s32 @!p0 $0xFFFFF086;
	s6 =	sadd.s32 @!p0 s3, s7;
	s7 =	simm.s32 @!p0 $0x108  }
0x21: {  	s3 =	sadd.s32 s3, s9;
	s6 =	sadd.s32 @!p0 $0x88, s6;
	s7 =	simm.s32 @p2 $0x1082  }
0x22: {  	[simem:s7], [sflag:s8] =	dma.local @!p0 [hbm:s6], $0xF7A  }
0x23: {  	s9 =	sor.u32 $0xD0000000, s2;
	s6 =	simm.s32 $0x108;
	_ =	swait.ge @!p0 [sflag:s8], $0x0  }
0x24: {  	s3 =	sadd.s32 $0x88, s3;
	s6 =	simm.s32 @!p1 $0x1082;
	[sflag:s4] =	ssyncset.s32 $0xFFFFF086  }
0x25: {  	[simem:s6], [sflag:s4] =	dma.local [hbm:s3], $0xF7A  }
0x26: {  	[smem:$0x3F97] =	sst s1;
	(tag) =	ssettag s2;
	_ =	strace s9  }
0x27: {  	s1 =	sld [smem:$0x3FA7]  }
0x28: {  	s2 =	sld [smem:$0x3FA8]  }
0x29: {  	s4 =	sld [smem:$0x3FAA]  }
0x2a: {  	p0 =	seq.s32 s5, $0x0;
	s5 =	sld [smem:$0x3FAB]  }
0x2b: {  	s6 =	sld [smem:$0x3FAC]  }
0x2c: {  	s7 =	sld [smem:$0x3FAD]  }
0x2d: {  	s3 =	simm.s32 $0x108;
	s8 =	sld [smem:$0x3FAE]  }
0x2e: {  	s3 =	simm.s32 @!p0 $0x1082;
	s9 =	sld [smem:$0x3FAF]  }
0x2f: {  	lr =	sadd.s32 s0, s3;
	s0 =	sld [smem:$0x3FA6]  }
0x30: {  	s3 =	sld [smem:$0x3FA9]  }
0x31: {  	[smem:$0x3FB2] =	sst s10  }
0x32: {  	s10 =	sld [smem:$0x3FB0];
	_ =	sdelay $0x3  }
0x33: {  	p0 =	seq.s32 s10, $0x1;
	s10 =	sld [smem:$0x3FB2];
	_ =	sdelay $0x3  }
0x34: {  	[smem:$0x3FB2] =	sst s10  }
0x35: {  	s10 =	sld [smem:$0x3FB1];
	_ =	sdelay $0x3  }
0x36: {  	p1 =	seq.s32 s10, $0x1;
	s10 =	sld [smem:$0x3FB2];
	_ =	sdelay $0x3  }
0x37: {  	[smem:$0x3FB2] =	sst s10  }
0x38: {  	s10 =	sld [smem:$0x3FB3]  }
0x39: {  	_ = 	snop;
	(pc) =	sbr.ind lr, $3  }
0x3a: {  	_ = 	snop  }
0x3b: {  	_ = 	snop  }
0x3c: {  	p2 =	seq.s32 s10, $0x1;
	s10 =	sld [smem:$0x3FB2]  }
0x3d: {  	_ =	shalt  }
0x3e: {  	_ =	shalt  }
0x3f: {  	_ =	shalt  }
0x40: {  	_ =	shalt  }
0x41: {  	_ =	shalt  }
0x42: {  	_ =	shalt  }
0x43: {  	_ =	shalt  }
0x44: {  	_ =	shalt  }
0x45: {  	_ =	shalt  }
0x46: {  	_ =	shalt  }
0x47: {  	_ =	shalt  }
0x48: {  	_ =	shalt  }
0x49: {  	_ =	shalt  }
0x4a: {  	_ =	shalt  }
0x4b: {  	_ =	shalt  }
0x4c: {  	_ =	shalt  }
0x4d: {  	_ =	shalt  }
0x4e: {  	_ =	shalt  }
0x4f: {  	_ =	shalt  }
0x50: {  	_ =	shalt  }
0x51: {  	_ =	shalt  }
0x52: {  	_ =	shalt  }
0x53: {  	_ =	shalt  }
0x54: {  	_ =	shalt  }
0x55: {  	_ =	shalt  }
0x56: {  	_ =	shalt  }
0x57: {  	_ =	shalt  }
0x58: {  	_ =	shalt  }
0x59: {  	_ =	shalt  }
0x5a: {  	_ =	shalt  }
0x5b: {  	_ =	shalt  }
0x5c: {  	_ =	shalt  }
0x5d: {  	_ =	shalt  }
0x5e: {  	_ =	shalt  }
0x5f: {  	_ =	shalt  }
0x60: {  	_ =	shalt  }
0x61: {  	_ =	shalt  }
0x62: {  	_ =	shalt  }
0x63: {  	_ =	shalt  }
0x64: {  	_ =	shalt  }
0x65: {  	_ =	shalt  }
0x66: {  	_ =	shalt  }
0x67: {  	_ =	shalt  }
0x68: {  	_ =	shalt  }
0x69: {  	_ =	shalt  }
0x6a: {  	_ =	shalt  }
0x6b: {  	_ =	shalt  }
0x6c: {  	_ =	shalt  }
0x6d: {  	_ =	shalt  }
0x6e: {  	_ =	shalt  }
0x6f: {  	_ =	shalt  }
0x70: {  	_ =	shalt  }
0x71: {  	_ =	shalt  }
0x72: {  	_ =	shalt  }
0x73: {  	_ =	shalt  }
0x74: {  	_ =	shalt  }
0x75: {  	_ =	shalt  }
0x76: {  	_ =	shalt  }
0x77: {  	_ =	shalt  }
0x78: {  	_ =	shalt  }
0x79: {  	_ =	shalt  }
0x7a: {  	_ =	shalt  }
0x7b: {  	_ =	shalt  }
0x7c: {  	_ =	shalt  }
0x7d: {  	_ =	shalt  }
0x7e: {  	_ =	shalt  }
0x7f: {  	_ =	shalt  }
0x80: {  	_ =	shalt  }
0x81: {  	_ =	shalt  }
0x82: {  	_ =	shalt  }
0x83: {  	_ =	shalt  }
0x84: {  	_ =	shalt  }
0x85: {  	_ =	shalt  }
0x86: {  	_ =	shalt  }
0x87: {  	_ =	shalt  }
.Lfunc_end0:
.L_simem_size_0:
called_computation_lowered:
.L_overlay_start_0:
0x88: {  	s2 =	sld [smem:$0x3FD9]  }
0x89: {  	s3 =	sld [smem:$0x3FFE];
	_ =	sdelay $0x1  }
0x8a: {  	s1 =	srdreg.scid  }
0x8b: {  	s0 =	sand.u32 $0x1, s1  }
0x8c: {  	s15 =	sshll.u32 s0, $0xA;
	s2 =	sadd.s32 s3, s2  }
0x8d: {  	s2 =	sadd.s32 s2, s15  }
0x8e: {  	[smem:$0x3FBE] =	sst s2  }
0x8f: {  	_ = 	snop  }
0x90: {  	s2 =	sld [smem:$0x3FD0];
	_ =	sdelay $0x2  }
0x91: {  	s16 =	simm.s32 $0xA;
	s4 =	simm.s32 $0x10  }
0x92: {  	[smem:s4], [sflag:s16] =	dma.local [hbm:s2], $0x1  }
0x93: {  	_ =	swait.eq [sflag:s16], $0x1  }
0x94: {  	s17 =	sld [smem:$0x10];
	[sflag:s16] =	ssyncset.done $0x0  }
0x95: {  	s18 =	sld [smem:$0x11];
	[sflag:s16] =	ssyncadd.s32 $0xFFFFFFFF  }
0x96: {  	s19 =	sld [smem:$0x12];
	(tm) =	ssettm $0x1  }
0x97: {  	s5 =	sld [smem:$0x3FFB];
	_ =	sdelay $0x3  }
0x98: {  	_ =	strace s5  }
0x99: {  	s5 =	sld [smem:$0x3FFC];
	_ =	sdelay $0x3  }
0x9a: {  	_ =	strace s5  }
0x9b: {  	s5 =	sld [smem:$0x3FFD];
	_ =	sdelay $0x3  }
0x9c: {  	_ =	strace s5  }
0x9d: {  	_ =	strace $0x8FFFFFFF  }
0x9e: {  	s20 =	sld [smem:$0x3FDB];
	_ =	sdelay $0x1  }
0x9f: {  	s6 =	simm.s32 $_scs_section_size  }
0xa0: {  	s7 =	simm.s32 $_size__tile_overlayer_lowered;
	s8 =	simm.s32 $_tile_overlayer_lowered  }
0xa1: {  	s23 =	simm.s32 $0x1BFF;
	s22 =	sshll.u32 s8, $0x1;
	s5 =	sadd.s32 s6, s20  }
0xa2: {  	s9 =	simm.s32 $0x0;
	s21 =	sshll.u32 s7, $0x1;
	s7 =	sadd.s32 s22, s5  }
0xa3: {  	[timem:s9], [sflag:s23] =	dma.local [hbm:s7], s21  }
0xa4: {  	_ =	swait.ge [sflag:s23], s21  }
0xa5: {  	s6 =	ssub.s32 $0x0, s21;
	[sflag:s23] =	ssyncset.done $0x0  }
0xa6: {  	[sflag:s23] =	ssyncadd.s32 s6;
	_ =	sdelay $0x1  }
0xa7: {  	s24 =	simm.s32 $0x1B8B  }
0xa8: {  	_ =	swait.ge [sflag:s24], $0x1  }
0xa9: {  	[sflag:s24] =	ssyncset.done $0x0  }
0xaa: {  	s25 =	simm.s32 $0x1B8E;
	[sflag:s24] =	ssyncadd.s32 $0xFFFFFFFF  }
0xab: {  	s26 =	simm.s32 $execute0_lowered;
	[smem:$0x3FD2] =	sst s25  }
0xac: {  	s6 =	sshll.u32 s26, $0x1;
	_ =	strace $0x80000046;
	[dreg:$0x1] =	wrdreg $0xFFFFFFFF  }
0xad: {  	s28 =	simm.s32 $_size_execute0_lowered;
	s5 =	sadd.s32 s5, s6;
	[dreg:$0x0] =	wrdreg $0x0  }
0xae: {  	s6 =	sshll.u32 s28, $0x1;
	[dreg:$0x2] =	wrdreg s5  }
0xaf: {  	[dreg:$0x3] =	wrdreg s6  }
0xb0: {  	[dreg:$0x4] =	wrdreg $0xC0  }
0xb1: {  	_ =	task [dreg:s9], $0x5FFFF  }
0xb2: {  	[dreg:$0x1] =	wrdreg $0xFFFFFFFF  }
0xb3: {  	[dreg:$0x0] =	wrdreg $0x60  }
0xb4: {  	[dreg:$0x2] =	wrdreg s19  }
0xb5: {  	[dreg:$0x3] =	wrdreg s18  }
0xb6: {  	[dreg:$0x4] =	wrdreg s17  }
0xb7: {  	[dreg:$0x5] =	wrdreg $0x0  }
0xb8: {  	[dreg:$0x6] =	wrdreg $0x9  }
0xb9: {  	_ =	task.clear_ibuf [dreg:s9], $0x7FFFF;
	_ =	strace $0x90000046  }
0xba: {  	s29 =	simm.s32 $0x9;
	_ =	strace $0x80000048  }
0xbb: {  	_ =	swait.ge [sflag:s29], $0x1  }
0xbc: {  	[sflag:s29] =	ssyncadd.s32 $0xFFFFFFFF  }
0xbd: {  	_ =	strace $0x90000048  }
0xbe: {  	_ =	sfence  }
0xbf: {  	s30 =	sld [smem:$0x0];
	_ =	sdelay $0x2  }
0xc0: {  	s31 =	sshll.u32 s1, $0xD;
	s1 =	sshrl.u32 s1, $0x2  }
0xc1: {  	s3 =	sand.u32 $0x4000, s31;
	s1 =	sadd.s32 s1, s30  }
0xc2: {  	s0 =	sor.u32 s3, s0;
	s1 =	sshll.u32 s1, $0x11  }
0xc3: {  	s0 =	sor.u32 s1, s0  }
0xc4: {  	s0 =	sadd.s32 $0x8F2B, s0  }
0xc5: {  	[sflag:s0] =	ssyncadd.remote.s32 $0x1  }
0xc6: {  	_ =	sfence.sel $0xFFFF  }
0xc7: {  	[dreg:$0x0] =	wrdreg $0xFFFFFFFF;
	(pc) =	sbr.abs _section_cstart, $3  }
0xc8: {  	[dreg:$0x1] =	wrdreg $0xFFFFFFFF  }
0xc9: {  	_ =	task.clear_ibuf [dreg:s9], $0x2FFFF;
	_ =	strace $0x9FFFFFFF  }
0xca: {  	(tm) =	ssettm $0x7FFFFFFF  }
0xcb: {  	_ =	shalt  }
tec
execute0_lowered:
.L_overlay_start_1:
0x0: {  	(tag) =	ssettag $0x1  }
0x1: {  	s6 =	rddreg [dreg:$0x0]  }
0x2: {  	s4 =	rddreg [dreg:$0x1]  }
0x3: {  	s7 =	rddreg [dreg:$0x2]  }
0x4: {  	s2 =	rddreg [dreg:$0x3]  }
0x5: {  	s0 =	rddreg [dreg:$0x4];
	s5 =	srdreg.scid  }
0x6: {  	s3 =	simm.s32 $0x0;
	s1 =	stileid.u32;
	s13 =	simm.s32 $0x29F8  }
0x7: {  	s14 =	simm.s32 $0x0;
	s5 =	sand.u32 $0x1, s5;
	[smem:$0x7FF] =	sst s3  }
0x8: {  	s9 =	smul.u32 $0x278, s1;
	s11 =	sshll.u32 s1, $0x1;
	s8 =	ssub.s32 $0x2, s5  }
0x9: {  	s12 =	smul.u32 $0x2780, s5;
	_ =	strace $0x80000047;
	s5 =	sor.u32 s5, s11  }
0xa: {  	s10 =	sshrl.u32 s8, $0x1;
	s30 =	sshrl.u32 s9, $0x3;
	s11 =	smul.u32 $0x4F0, s5  }
0xb: {  	s5 =	sadd.s32 s9, s2;
	s8 =	ssub.s32 s8, s10;
	s12 =	sadd.s32 s9, s12  }
0xc: {  	s4 =	sadd.s32 s4, s30;
	s9 =	simm.s32 $0x2A78;
	s10 =	simm.s32 $0x1  }
0xd: {  	s31 =	sshrl.u32 s12, $0x3;
	s6 =	sadd.s32 s6, s11;
	s8 =	smax.u32 s8, $0x1  }
0xe: {  	v0 =	vimm.f32 $1.000000000e+00;
	s11 =	simm.s32 $0x278;
	s12 =	simm.s32 $0x80;
	s7 =	sadd.s32 s7, s31  }
.LBB2_1:
0xf: {  	[tilespmem:s9], [sflag:$0x1] =	stream.linear.gather [hbm4b:s4+s3], $0x278, $0x38;
	[tilespmem:$0x2CF0] =	vst v63  }
0x10: {  	_ =	swait.ge [sflag:s10], $0x278  }
0x11: {  	[sflag:s10] =	ssyncset.done $0x0  }
0x12: {  	[sflag:s10] =	ssyncadd.s32 $0xFFFFFD88  }
0x13: {  	[spmem:s5] =	stream.linear.scatter [tilespmem:s9], [sflag:$0x1], $0x278, $0x38;
	[tilespmem:$0x2CF0] =	vst v63  }
0x14: {  	_ =	swait.ge [sflag:s10], $0x278  }
0x15: {  	[sflag:s10] =	ssyncset.done $0x0  }
0x16: {  	[sflag:s10] =	ssyncadd.s32 $0xFFFFFD88  }
0x17: {  	[tilespmem:$0x29F8] =	vst v0  }
0x18: {  	[tilespmem:$0x2A08] =	vst v0  }
0x19: {  	[tilespmem:$0x2A18] =	vst v0  }
0x1a: {  	[tilespmem:$0x2A28] =	vst v0  }
0x1b: {  	[tilespmem:$0x2A38] =	vst v0  }
0x1c: {  	[tilespmem:$0x2A48] =	vst v0  }
0x1d: {  	[tilespmem:$0x2A58] =	vst v0  }
0x1e: {  	[tilespmem:$0x2A68] =	vst v0  }
0x1f: {  	[tilespmem:s11], [sflag:$0x1] =	stream.linear.gather [hbm4b:s6+s3], $0x2780, $0x38;
	[tilespmem:$0x2CF0] =	vst v63  }
0x20: {  	_ =	swait.ge [sflag:s10], $0x2780  }
0x21: {  	[sflag:s10] =	ssyncset.done $0x0  }
0x22: {  	[sflag:s10] =	ssyncadd.s32 $0xFFFFD880  }
0x23: {  	s15 =	simm.s32 $0x278;
	[bflag:$0x0] =	sbarrier.arrive $0xFFFF  }
0x24: {  	[spmem:s2] =	stream.indirect.scatter.add.f32 [tilespmem:s13], [sflag:$0x1], $0x1, s15, s12, $0xb8;
	[tilespmem:$0x2CF0] =	vst v63  }
0x25: {  	s15 =	simm.s32 $0x200;
	_ =	swait.ge [sflag:s10], $0x80  }
.LBB2_2:
0x26: {  	s16 =	sshra.s32 s15, $0x2;
	[sflag:s10] =	ssyncset.done $0x0;
	p0 =	sne.s32 s15, $0x9C00  }
.Ltmp0:
0x27: {  	s16 =	sadd.s32 $0x278, s16;
	[sflag:s10] =	ssyncadd.s32 $0xFFFFFF80;
	(pc) =	sbr.rel @p0 .LBB2_2-.Ltmp0, $3  }
0x28: {  	[spmem:s2] =	stream.indirect.scatter.add.f32 [tilespmem:s13], [sflag:$0x1], $0x1, s16, s12, $0xb8;
	[tilespmem:$0x2CF0] =	vst v63  }
0x29: {  	s15 =	sadd.s32 $0x200, s15;
	_ =	sdelay $0x1  }
0x2a: {  	_ =	swait.ge [sflag:s10], $0x80  }
0x2b: {  	[sflag:s10] =	ssyncset.done $0x0  }
0x2c: {  	[sflag:s10] =	ssyncadd.s32 $0xFFFFFF80  }
0x2d: {  	[bflag:$0x0] =	sbarrier.arrive $0xFFFF  }
0x2e: {  	[tilespmem:s9], [sflag:$0x1] =	stream.linear.gather [spmem:s5], $0x278, $0x38;
	[tilespmem:$0x2CF0] =	vst v63  }
0x2f: {  	s14 =	sadd.s32 $0x1, s14;
	_ =	swait.ge [sflag:s10], $0x278  }
0x30: {  	p0 =	sne.s32 s14, s8;
	[sflag:s10] =	ssyncset.done $0x0  }
.Ltmp1:
0x31: {  	[sflag:s10] =	ssyncadd.s32 $0xFFFFFD88;
	(pc) =	sbr.rel @p0 .LBB2_1-.Ltmp1, $4  }
0x32: {  	[hbm4b:s7+s3] =	stream.linear.scatter [tilespmem:s9], [sflag:$0x1], $0x278, $0x38;
	[tilespmem:$0x2CF0] =	vst v63  }
0x33: {  	_ =	swait.ge [sflag:s10], $0x278  }
0x34: {  	[sflag:s10] =	ssyncset.done $0x0  }
0x35: {  	[sflag:s10] =	ssyncadd.s32 $0xFFFFFD88  }
0x36: {  	_ =	sfence.sel $0x180000  }
0x37: {  	[bflag:$0x0] =	sbarrier.arrive $0xFFFF  }
0x38: {  	p0 =	sne.s32 s1, $0x0;
	_ =	strace $0x90000047  }
0x39: {  	s0 =	sadd.s32 @!p0 $0x100000, s0;
	[bflag:$0x2] =	sbarrier.arrive $0xFFFF  }
0x3a: {  	[sflag:s0] =	ssyncadd.tile.s32 @!p0 $0x1;
	_ =	shalt  }
.Lfunc_end2:
_tile_overlayer_lowered:
.L_overlay_start_2:
0x3b: {  	(tag) =	ssettag $0x2  }
0x3c: {  	s0 =	rddreg [dreg:$0x0];
	s2 =	stileid.u32  }
0x3d: {  	s1 =	rddreg [dreg:$0x1];
	p0 =	sne.s32 s2, $0x0  }
0x3e: {  	s3 =	rddreg [dreg:$0x2];
	[bflag:$0x3] =	sbarrier.arrive $0xFFFF;
	s2 =	simm.s32 @!p0 $0x1C01  }
0x3f: {  	[timem:s3], [sflag:s2] =	dma.local @!p0 [hbm:s0], s1  }
0x40: {  	s0 =	simm.s32 @!p0 $0x1  }
0x41: {  	_ =	swait.ge @!p0 [sflag:s0], s1  }
0x42: {  	s1 =	ssub.s32 @!p0 $0x0, s1;
	[sflag:s0] =	ssyncset.done @!p0 $0x0  }
0x43: {  	[sflag:s0] =	ssyncadd.s32 @!p0 s1  }
0x44: {  	[bflag:$0x3] =	sbarrier.arrive $0xFFFF  }
0x45: {  	_ =	shalt  }

</sc_bundles>
